<compile_context>
chip_gen: v7x
topology: tpu7x:2x2x1
jax: 0.10.2.dev20260603
libtpu: 0.0.44.dev20260713+nightly
codegen_flags: <defaults>
</compile_context>

<pallas_src>
import functools

import jax
import jax.numpy as jnp
from jax import lax
from jax.experimental import pallas as pl
from jax.experimental.pallas import tpu as pltpu
from jax.experimental.pallas import tpu_sc as plsc

_NC = 2
_NS = 16
_NW = _NC * _NS
_CHUNK = 80
_NBUF = 4


def _sc_gather_sum(exe_idx, skill_idx, exe_table, skill_table):
    n = exe_idx.shape[0]
    d = exe_table.shape[1]
    per_w = n // _NW
    n_chunks = per_w // _CHUNK
    mesh = plsc.VectorSubcoreMesh(
        core_axis_name="c", subcore_axis_name="s",
        num_cores=_NC, num_subcores=_NS,
    )

    @functools.partial(
        pl.kernel,
        mesh=mesh,
        out_type=jax.ShapeDtypeStruct((n, d), jnp.float32),
        scratch_types=[
            pltpu.VMEM((per_w,), jnp.int32),
            pltpu.VMEM((per_w,), jnp.int32),
            pltpu.VMEM((_NBUF, _CHUNK, d), jnp.float32),
            pltpu.SemaphoreType.DMA,
            pltpu.SemaphoreType.DMA,
            pltpu.SemaphoreType.DMA,
        ],
    )
    def gather_kernel(exe_idx_hbm, skill_idx_hbm, exe_tab_hbm, skill_tab_hbm,
                      out_hbm, idx_e, idx_s, rows, sem_e, sem_s, sem_w):
        wid = lax.axis_index("s") * _NC + lax.axis_index("c")
        base = wid * per_w
        pltpu.sync_copy(exe_idx_hbm.at[pl.ds(base, per_w)], idx_e)
        pltpu.sync_copy(skill_idx_hbm.at[pl.ds(base, per_w)], idx_s)
        n_groups = n_chunks // _NBUF

        def body(g, carry):
            gb = g * _NBUF * _CHUNK
            cps = []
            for k in range(_NBUF):
                io = gb + k * _CHUNK
                cps.append(pltpu.async_copy(
                    exe_tab_hbm.at[idx_e.at[pl.ds(io, _CHUNK)]],
                    rows.at[k], sem_e))
            scs = []
            for k in range(_NBUF):
                io = gb + k * _CHUNK
                cps[k].wait()
                scs.append(pltpu.async_copy(
                    skill_tab_hbm.at[idx_s.at[pl.ds(io, _CHUNK)]],
                    rows.at[k], sem_s, add=True))
            wcs = []
            for k in range(_NBUF):
                scs[k].wait()
                off = base + gb + k * _CHUNK
                wcs.append(pltpu.async_copy(
                    rows.at[k], out_hbm.at[pl.ds(off, _CHUNK)], sem_w))
            for w in wcs:
                w.wait()
            return carry

        lax.fori_loop(0, n_groups, body, 0)

    return gather_kernel(exe_idx, skill_idx, exe_table, skill_table)


def _tc_enc_body(seqs, bsz, comb, x, pos, W, b, enc_o):
    Wv = W[...]
    bv = b[...]
    d = bv.shape[1]
    dn = (((0,), (0,)), ((), ()))
    ones_row = jnp.ones((1, bsz), jnp.float32)
    ones128 = jnp.ones((1, d), jnp.float32)
    xw = jnp.dot(x[...], Wv, preferred_element_type=jnp.float32)
    for j in range(seqs):
        cj = comb[j]
        posr = pos[j]
        ids_row = (cj[0:1, :] + cj[1:2, :]).astype(jnp.float32)
        a_enc = jnp.concatenate([ids_row, ones_row], axis=0)
        b_enc = jnp.concatenate([ones128, bv + posr], axis=0)
        enc_o[pl.ds(j * bsz, bsz), :] = (
            xw[j * bsz:(j + 1) * bsz, :]
            + lax.dot_general(a_enc, b_enc, dn,
                              preferred_element_type=jnp.float32))


def _tc_dec_body(seqs, bsz, s_dim, r_et, pos, etW, etb, resp, dec_o):
    etWv = etW[...]
    etbv = etb[...]
    respv = resp[...]
    posv = pos[...]
    rows = seqs * bsz
    dn = (((0,), (0,)), ((), ()))
    r_row = r_et[0:1, :]
    et_row = lax.bitcast_convert_type(r_et[1:2, :], jnp.float32)
    ones_row = jnp.ones((1, rows), jnp.float32)
    oh = jnp.concatenate(
        [(r_row == t).astype(jnp.float32) for t in range(respv.shape[0])],
        axis=0,
    )
    i = pl.program_id(0)
    li = i * seqs + lax.broadcasted_iota(jnp.int32, (s_dim, rows), 1) // bsz
    si = lax.broadcasted_iota(jnp.int32, (s_dim, rows), 0)
    p_oh = (li == si).astype(jnp.float32)
    a_dec = jnp.concatenate([oh, et_row, ones_row, p_oh], axis=0)
    b_dec = jnp.concatenate([respv, etWv, etbv, posv], axis=0)
    dec_o[...] = lax.dot_general(a_dec, b_dec, dn,
                                 preferred_element_type=jnp.float32)


def _tc_out_body(y, gsum, W, b, out_o):
    out_o[...] = (
        jnp.dot(y[...], W[...], preferred_element_type=jnp.float32)
        + b[...] + gsum[...]
    )


def _tc_enc(comb, x, pos, W, b, seqs, interpret=False):
    n, nlp = x.shape
    d = W.shape[1]
    s_dim = pos.shape[0]
    bsz = n // s_dim
    rows = seqs * bsz
    grid = (n // rows,)
    row_spec = lambda w: pl.BlockSpec((rows, w), lambda i: (i, 0))
    full = lambda h, w: pl.BlockSpec((h, w), lambda i: (0, 0))
    return pl.pallas_call(
        functools.partial(_tc_enc_body, seqs, bsz),
        grid=grid,
        in_specs=[
            pl.BlockSpec((seqs, 4, bsz), lambda i: (i, 0, 0)),
            row_spec(nlp),
            pl.BlockSpec((seqs, 1, d), lambda i: (i, 0, 0)),
            full(nlp, d), full(1, d),
        ],
        out_specs=[row_spec(d)],
        out_shape=[jax.ShapeDtypeStruct((n, d), jnp.float32)],
        compiler_params=pltpu.CompilerParams(
            dimension_semantics=("parallel",),
        ),
        interpret=interpret,
    )(comb, x, pos, W, b)[0]


def _tc_dec(r_et, pos2, etW, etb, resp, n, seqs, interpret=False):
    d = etW.shape[1]
    s_dim = pos2.shape[0]
    bsz = n // s_dim
    rows = seqs * bsz
    grid = (n // rows,)
    full = lambda h, w: pl.BlockSpec((h, w), lambda i: (0, 0))
    return pl.pallas_call(
        functools.partial(_tc_dec_body, seqs, bsz, s_dim),
        grid=grid,
        in_specs=[
            pl.BlockSpec((2, rows), lambda i: (0, i)),
            full(s_dim, d),
            full(1, d), full(1, d), full(resp.shape[0], d),
        ],
        out_specs=[pl.BlockSpec((rows, d), lambda i: (i, 0))],
        out_shape=[jax.ShapeDtypeStruct((n, d), jnp.float32)],
        compiler_params=pltpu.CompilerParams(
            dimension_semantics=("parallel",),
        ),
        interpret=interpret,
    )(r_et, pos2, etW, etb, resp)[0]


def _tc_out(y, g_sum, W, b, rows, interpret=False):
    n, nlp = y.shape
    d = W.shape[1]
    grid = (n // rows,)
    row_spec = lambda w: pl.BlockSpec((rows, w), lambda i: (i, 0))
    return pl.pallas_call(
        _tc_out_body,
        grid=grid,
        in_specs=[
            row_spec(nlp), row_spec(d),
            pl.BlockSpec((nlp, d), lambda i: (0, 0)),
            pl.BlockSpec((1, d), lambda i: (0, 0)),
        ],
        out_specs=[row_spec(d)],
        out_shape=[jax.ShapeDtypeStruct((n, d), jnp.float32)],
        compiler_params=pltpu.CompilerParams(
            dimension_semantics=("parallel",),
        ),
        interpret=interpret,
    )(y, g_sum, W, b)[0]


def kernel(input_nlp_embedding, input_exercise, input_skill, input_r,
           in_elapsed_time, output_nlp_embedding, out_exercise, out_skill,
           exercise_table, skill_table, response_table, pos_table,
           nlp_W, nlp_b, et_W, et_b):
    b_dim, s_dim, nlp = input_nlp_embedding.shape
    d = nlp_W.shape[1]
    n = b_dim * s_dim

    x_in = jnp.transpose(input_nlp_embedding, (1, 0, 2)).reshape(n, nlp)
    x_out = jnp.transpose(output_nlp_embedding, (1, 0, 2)).reshape(n, nlp)
    comb = jnp.concatenate([
        jnp.transpose(input_exercise).reshape(s_dim, 1, b_dim),
        jnp.transpose(input_skill).reshape(s_dim, 1, b_dim),
        jnp.transpose(input_r).reshape(s_dim, 1, b_dim),
        lax.bitcast_convert_type(
            jnp.transpose(in_elapsed_time, (1, 2, 0)), jnp.int32),
    ], axis=1)
    oexe_t = jnp.transpose(out_exercise).reshape(n)
    oskill_t = jnp.transpose(out_skill).reshape(n)

    g_sum = _sc_gather_sum(oexe_t, oskill_t, exercise_table, skill_table)

    pos3 = pos_table.reshape(s_dim, 1, d)
    r_et = jnp.concatenate([
        jnp.transpose(input_r).reshape(1, n),
        lax.bitcast_convert_type(
            jnp.transpose(in_elapsed_time, (1, 2, 0)).reshape(1, n),
            jnp.int32),
    ], axis=0)
    dec2 = _tc_dec(r_et, pos_table, et_W, et_b.reshape(1, d),
                   response_table, n, seqs=5)
    enc2 = _tc_enc(comb, x_in, pos3, nlp_W, nlp_b.reshape(1, d), seqs=2)
    out2 = _tc_out(x_out, g_sum, nlp_W, nlp_b.reshape(1, d),
                   rows=2 * b_dim)

    def back(a2):
        return jnp.transpose(a2.reshape(s_dim, b_dim, d), (1, 0, 2))

    return (back(enc2), back(dec2), back(out2))

# --- scband reference (transcript-rebuilt; emitter-appended) ---
"""Pipeline reference for scband-embedding-block-21208548508212 (READ-ONLY COPY).

The authoritative reference and input builder live on the scoring server;
editing this copy changes nothing except your own understanding.
"""

import jax, jax.numpy as jnp
import numpy as np

B, S, D, NLP = 1024, 50, 128, 768
NB_Q, NB_SK, NB_R = 100000, 1000, 3

def setup_inputs(seed: int = 0) -> dict:
    key = jax.random.key(seed)
    ks = jax.random.split(key, 16)
    inp = {
        "input_nlp_embedding": jax.random.normal(ks[0], (B, S, NLP), dtype=jnp.float32),
        "input_exercise": jax.random.randint(ks[1], (B, S), 0, NB_Q, dtype=jnp.int64 if jax.config.jax_enable_x64 else jnp.int32).astype(jnp.int32),
        "input_skill": jax.random.randint(ks[2], (B, S), 0, NB_SK).astype(jnp.int32),
        "input_r": jax.random.randint(ks[3], (B, S), 0, NB_R).astype(jnp.int32),
        "in_elapsed_time": jax.random.uniform(ks[4], (B, S, 1), dtype=jnp.float32),
        "output_nlp_embedding": jax.random.normal(ks[5], (B, S, NLP), dtype=jnp.float32),
        "out_exercise": jax.random.randint(ks[6], (B, S), 0, NB_Q).astype(jnp.int32),
        "out_skill": jax.random.randint(ks[7], (B, S), 0, NB_SK).astype(jnp.int32),
        # learned parameters
        "exercise_table": jax.random.normal(ks[8], (NB_Q, D), dtype=jnp.float32) * 0.02,
        "skill_table": jax.random.normal(ks[9], (NB_SK, D), dtype=jnp.float32) * 0.02,
        "response_table": jax.random.normal(ks[10], (NB_R, D), dtype=jnp.float32) * 0.02,
        "pos_table": jax.random.normal(ks[11], (S, D), dtype=jnp.float32) * 0.02,
        "nlp_W": jax.random.normal(ks[12], (NLP, D), dtype=jnp.float32) * (1.0 / np.sqrt(NLP)),
        "nlp_b": jnp.zeros((D,), dtype=jnp.float32),
        "et_W": jax.random.normal(ks[13], (1, D), dtype=jnp.float32),
        "et_b": jnp.zeros((D,), dtype=jnp.float32),
    }
    return inp

def reference(input_nlp_embedding, input_exercise, input_skill, input_r, in_elapsed_time,
              output_nlp_embedding, out_exercise, out_skill,
              exercise_table, skill_table, response_table, pos_table, nlp_W, nlp_b, et_W, et_b):
    # pos_encode(seq_len) -> arange(seq_len); position embedding lookup
    position_encoded = jnp.arange(S, dtype=jnp.int32)
    _pos = jnp.take(pos_table, position_encoded, axis=0)            # [S, D]
    _input_nlp_embedding = input_nlp_embedding @ nlp_W + nlp_b      # [B, S, D]
    _exe = jnp.take(exercise_table, input_exercise, axis=0)         # [B, S, D]
    _skill = jnp.take(skill_table, input_skill, axis=0)             # [B, S, D]
    _response = jnp.take(response_table, input_r, axis=0)           # [B, S, D]
    _elapsed_time = in_elapsed_time @ et_W + et_b                   # [B, S, D]
    _output_nlp_embedding = output_nlp_embedding @ nlp_W + nlp_b
    _out_exe = jnp.take(exercise_table, out_exercise, axis=0)
    _out_skill = jnp.take(skill_table, out_skill, axis=0)
    # Faithful to original: raw integer id tensors are added to the float embedding
    # (original torch code adds input_exercise/input_skill, not _exe/_skill);
    # broadcast via trailing singleton dim so shapes align.
    input_encoder = (_input_nlp_embedding
                     + input_exercise[..., None].astype(jnp.float32)
                     + input_skill[..., None].astype(jnp.float32)
                     + _pos)
    input_decoder = _response + _elapsed_time + _pos
    output = _output_nlp_embedding + _out_exe + _out_skill
    return (input_encoder, input_decoder, output)

if __name__ == "__main__":
    import jax
    _d = setup_inputs()
    print(jax.jit(kernel)(*tuple(_d.values())))

</pallas_src>

<mosaic_0001>
#map = affine_map<(d0, d1) -> (0)>
#map1 = affine_map<(d0, d1) -> (0, 0)>
module attributes {stable_mosaic.version = 14 : i64} {
  func.func @gather_kernel(%arg0: i32, %arg1: i32, %arg2: memref<51200xi32, #tpu.memory_space<hbm>>, %arg3: memref<51200xi32, #tpu.memory_space<hbm>>, %arg4: memref<100000x128xf32, #tpu.memory_space<hbm>>, %arg5: memref<1000x128xf32, #tpu.memory_space<hbm>>, %arg6: memref<51200x128xf32, #tpu.memory_space<hbm>>, %arg7: memref<1600xi32, #tpu.memory_space<vmem>>, %arg8: memref<1600xi32, #tpu.memory_space<vmem>>, %arg9: memref<4x80x128xf32, #tpu.memory_space<vmem>>, %arg10: memref<!tpu.dma_semaphore, #tpu.memory_space<semaphore_mem>>, %arg11: memref<!tpu.dma_semaphore, #tpu.memory_space<semaphore_mem>>, %arg12: memref<!tpu.dma_semaphore, #tpu.memory_space<semaphore_mem>>) attributes {dimension_semantics = [#tpu.dimension_semantics<core_parallel>, #tpu.dimension_semantics<subcore_parallel>], iteration_bounds = array<i64: 2, 16>, scalar_prefetch = 0 : i64, scratch_operands = 6 : i64, tpu.core_type = #tpu.core_type<sc_vector_subcore>, window_params = [{transform_indices = #map}, {transform_indices = #map}, {transform_indices = #map1}, {transform_indices = #map1}, {transform_indices = #map1}]} {
    %mul3A = arith.constant 2 : i32
    %mul3A_0 = arith.muli %arg1, %mul3A : i32
    %add3A = arith.addi %mul3A_0, %arg0 : i32
    %mul3A_1 = arith.constant 1600 : i32
    %mul3A_2 = arith.muli %add3A, %mul3A_1 : i32
    "tpu.region"() ({
      %run_scoped3A = tpu.sem_alloc : memref<!tpu.dma_semaphore, #tpu.memory_space<semaphore_mem>>
      %dma_start3A = tpu.memref_slice %arg2[%mul3A_2] : memref<51200xi32, #tpu.memory_space<hbm>> -> memref<1600xi32, #tpu.memory_space<hbm>>
      %dma_start3A_8 = tpu.memref_slice %arg2[%mul3A_2] : memref<51200xi32, #tpu.memory_space<hbm>> -> memref<1600xi32, #tpu.memory_space<hbm>>
      tpu.enqueue_dma source(%dma_start3A_8 : memref<1600xi32, #tpu.memory_space<hbm>>) target(%arg7 : memref<1600xi32, #tpu.memory_space<vmem>>) target_semaphore(%run_scoped3A : memref<!tpu.dma_semaphore, #tpu.memory_space<semaphore_mem>>)
      %dma_wait3A = tpu.memref_slice %arg2[%mul3A_2] : memref<51200xi32, #tpu.memory_space<hbm>> -> memref<1600xi32, #tpu.memory_space<hbm>>
      %dma_wait3A_9 = tpu.memref_slice %arg2[%mul3A_2] : memref<51200xi32, #tpu.memory_space<hbm>> -> memref<1600xi32, #tpu.memory_space<hbm>>
      tpu.wait_dma2 semaphore(%run_scoped3A : memref<!tpu.dma_semaphore, #tpu.memory_space<semaphore_mem>>) src(%dma_wait3A_9 : memref<1600xi32, #tpu.memory_space<hbm>>) dst(%arg7 : memref<1600xi32, #tpu.memory_space<vmem>>)
      tpu.yield
    }) : () -> ()
    "tpu.region"() ({
      %run_scoped3A = tpu.sem_alloc : memref<!tpu.dma_semaphore, #tpu.memory_space<semaphore_mem>>
      %dma_start3A = tpu.memref_slice %arg3[%mul3A_2] : memref<51200xi32, #tpu.memory_space<hbm>> -> memref<1600xi32, #tpu.memory_space<hbm>>
      %dma_start3A_8 = tpu.memref_slice %arg3[%mul3A_2] : memref<51200xi32, #tpu.memory_space<hbm>> -> memref<1600xi32, #tpu.memory_space<hbm>>
      tpu.enqueue_dma source(%dma_start3A_8 : memref<1600xi32, #tpu.memory_space<hbm>>) target(%arg8 : memref<1600xi32, #tpu.memory_space<vmem>>) target_semaphore(%run_scoped3A : memref<!tpu.dma_semaphore, #tpu.memory_space<semaphore_mem>>)
      %dma_wait3A = tpu.memref_slice %arg3[%mul3A_2] : memref<51200xi32, #tpu.memory_space<hbm>> -> memref<1600xi32, #tpu.memory_space<hbm>>
      %dma_wait3A_9 = tpu.memref_slice %arg3[%mul3A_2] : memref<51200xi32, #tpu.memory_space<hbm>> -> memref<1600xi32, #tpu.memory_space<hbm>>
      tpu.wait_dma2 semaphore(%run_scoped3A : memref<!tpu.dma_semaphore, #tpu.memory_space<semaphore_mem>>) src(%dma_wait3A_9 : memref<1600xi32, #tpu.memory_space<hbm>>) dst(%arg8 : memref<1600xi32, #tpu.memory_space<vmem>>)
      tpu.yield
    }) : () -> ()
    %scan3A = arith.constant 0 : i32
    %scan3A_3 = arith.constant 0 : i32
    %scan3A_4 = arith.constant 5 : i32
    %scan3A_5 = arith.addi %scan3A_3, %scan3A_4 : i32
    %scan3A_6 = arith.constant 1 : i32
    scf.for %scan3A_8 = %scan3A_3 to %scan3A_5 step %scan3A_6  : i32 {
      %mul3A_9 = arith.constant 4 : i32
      %mul3A_10 = arith.muli %scan3A_8, %mul3A_9 : i32
      %mul3A_11 = arith.constant 80 : i32
      %mul3A_12 = arith.muli %mul3A_10, %mul3A_11 : i32
      %add3A_13 = arith.constant 0 : i32
      %add3A_14 = arith.addi %mul3A_12, %add3A_13 : i32
      %dma_start3A = arith.constant 0 : i32
      %dma_start3A_15 = arith.constant 0 : i32
      %dma_start3A_16 = arith.constant 0 : i32
      %dma_start3A_17 = tpu.memref_slice %arg9[%dma_start3A, %dma_start3A_15, %dma_start3A_16] : memref<4x80x128xf32, #tpu.memory_space<vmem>> -> memref<1x80x128xf32, #tpu.memory_space<vmem>>
      %dma_start3A_18 = tpu.memref_squeeze %dma_start3A_17 : memref<1x80x128xf32, #tpu.memory_space<vmem>> -> memref<80x128xf32, #tpu.memory_space<vmem>>
      %dma_start3A_19 = tpu.memref_slice %arg7[%add3A_14] : memref<1600xi32, #tpu.memory_space<vmem>> -> memref<80xi32, #tpu.memory_space<vmem>>
      %dma_start3A_20 = arith.constant 0 : i32
      %dma_start3A_21 = arith.constant 0 : i32
      %dma_start3A_22 = tpu.memref_slice %arg4[%dma_start3A_20, %dma_start3A_21] : memref<100000x128xf32, #tpu.memory_space<hbm>> -> memref<100000x128xf32, #tpu.memory_space<hbm>>
      tpu.enqueue_indirect_dma source(%dma_start3A_22 : memref<100000x128xf32, #tpu.memory_space<hbm>>) target(%dma_start3A_18 : memref<80x128xf32, #tpu.memory_space<vmem>>) offsets(%dma_start3A_19 : memref<80xi32, #tpu.memory_space<vmem>>) semaphore(%arg10 : memref<!tpu.dma_semaphore, #tpu.memory_space<semaphore_mem>>)
      %add3A_23 = arith.constant 80 : i32
      %add3A_24 = arith.addi %mul3A_12, %add3A_23 : i32
      %dma_start3A_25 = arith.constant 1 : i32
      %dma_start3A_26 = arith.constant 0 : i32
      %dma_start3A_27 = arith.constant 0 : i32
      %dma_start3A_28 = tpu.memref_slice %arg9[%dma_start3A_25, %dma_start3A_26, %dma_start3A_27] : memref<4x80x128xf32, #tpu.memory_space<vmem>> -> memref<1x80x128xf32, #tpu.memory_space<vmem>>
      %dma_start3A_29 = tpu.memref_squeeze %dma_start3A_28 : memref<1x80x128xf32, #tpu.memory_space<vmem>> -> memref<80x128xf32, #tpu.memory_space<vmem>>
      %dma_start3A_30 = tpu.memref_slice %arg7[%add3A_24] : memref<1600xi32, #tpu.memory_space<vmem>> -> memref<80xi32, #tpu.memory_space<vmem>>
      %dma_start3A_31 = arith.constant 0 : i32
      %dma_start3A_32 = arith.constant 0 : i32
      %dma_start3A_33 = tpu.memref_slice %arg4[%dma_start3A_31, %dma_start3A_32] : memref<100000x128xf32, #tpu.memory_space<hbm>> -> memref<100000x128xf32, #tpu.memory_space<hbm>>
      tpu.enqueue_indirect_dma source(%dma_start3A_33 : memref<100000x128xf32, #tpu.memory_space<hbm>>) target(%dma_start3A_29 : memref<80x128xf32, #tpu.memory_space<vmem>>) offsets(%dma_start3A_30 : memref<80xi32, #tpu.memory_space<vmem>>) semaphore(%arg10 : memref<!tpu.dma_semaphore, #tpu.memory_space<semaphore_mem>>)
      %add3A_34 = arith.constant 160 : i32
      %add3A_35 = arith.addi %mul3A_12, %add3A_34 : i32
      %dma_start3A_36 = arith.constant 2 : i32
      %dma_start3A_37 = arith.constant 0 : i32
      %dma_start3A_38 = arith.constant 0 : i32
      %dma_start3A_39 = tpu.memref_slice %arg9[%dma_start3A_36, %dma_start3A_37, %dma_start3A_38] : memref<4x80x128xf32, #tpu.memory_space<vmem>> -> memref<1x80x128xf32, #tpu.memory_space<vmem>>
      %dma_start3A_40 = tpu.memref_squeeze %dma_start3A_39 : memref<1x80x128xf32, #tpu.memory_space<vmem>> -> memref<80x128xf32, #tpu.memory_space<vmem>>
      %dma_start3A_41 = tpu.memref_slice %arg7[%add3A_35] : memref<1600xi32, #tpu.memory_space<vmem>> -> memref<80xi32, #tpu.memory_space<vmem>>
      %dma_start3A_42 = arith.constant 0 : i32
      %dma_start3A_43 = arith.constant 0 : i32
      %dma_start3A_44 = tpu.memref_slice %arg4[%dma_start3A_42, %dma_start3A_43] : memref<100000x128xf32, #tpu.memory_space<hbm>> -> memref<100000x128xf32, #tpu.memory_space<hbm>>
      tpu.enqueue_indirect_dma source(%dma_start3A_44 : memref<100000x128xf32, #tpu.memory_space<hbm>>) target(%dma_start3A_40 : memref<80x128xf32, #tpu.memory_space<vmem>>) offsets(%dma_start3A_41 : memref<80xi32, #tpu.memory_space<vmem>>) semaphore(%arg10 : memref<!tpu.dma_semaphore, #tpu.memory_space<semaphore_mem>>)
      %add3A_45 = arith.constant 240 : i32
      %add3A_46 = arith.addi %mul3A_12, %add3A_45 : i32
      %dma_start3A_47 = arith.constant 3 : i32
      %dma_start3A_48 = arith.constant 0 : i32
      %dma_start3A_49 = arith.constant 0 : i32
      %dma_start3A_50 = tpu.memref_slice %arg9[%dma_start3A_47, %dma_start3A_48, %dma_start3A_49] : memref<4x80x128xf32, #tpu.memory_space<vmem>> -> memref<1x80x128xf32, #tpu.memory_space<vmem>>
      %dma_start3A_51 = tpu.memref_squeeze %dma_start3A_50 : memref<1x80x128xf32, #tpu.memory_space<vmem>> -> memref<80x128xf32, #tpu.memory_space<vmem>>
      %dma_start3A_52 = tpu.memref_slice %arg7[%add3A_46] : memref<1600xi32, #tpu.memory_space<vmem>> -> memref<80xi32, #tpu.memory_space<vmem>>
      %dma_start3A_53 = arith.constant 0 : i32
      %dma_start3A_54 = arith.constant 0 : i32
      %dma_start3A_55 = tpu.memref_slice %arg4[%dma_start3A_53, %dma_start3A_54] : memref<100000x128xf32, #tpu.memory_space<hbm>> -> memref<100000x128xf32, #tpu.memory_space<hbm>>
      tpu.enqueue_indirect_dma source(%dma_start3A_55 : memref<100000x128xf32, #tpu.memory_space<hbm>>) target(%dma_start3A_51 : memref<80x128xf32, #tpu.memory_space<vmem>>) offsets(%dma_start3A_52 : memref<80xi32, #tpu.memory_space<vmem>>) semaphore(%arg10 : memref<!tpu.dma_semaphore, #tpu.memory_space<semaphore_mem>>)
      %add3A_56 = arith.constant 0 : i32
      %add3A_57 = arith.addi %mul3A_12, %add3A_56 : i32
      %dma_wait3A = arith.constant 0 : i32
      %dma_wait3A_58 = arith.constant 0 : i32
      %dma_wait3A_59 = arith.constant 0 : i32
      %dma_wait3A_60 = tpu.memref_slice %arg9[%dma_wait3A, %dma_wait3A_58, %dma_wait3A_59] : memref<4x80x128xf32, #tpu.memory_space<vmem>> -> memref<1x80x128xf32, #tpu.memory_space<vmem>>
      %dma_wait3A_61 = tpu.memref_squeeze %dma_wait3A_60 : memref<1x80x128xf32, #tpu.memory_space<vmem>> -> memref<80x128xf32, #tpu.memory_space<vmem>>
      %dma_wait3A_62 = tpu.memref_slice %arg7[%add3A_14] : memref<1600xi32, #tpu.memory_space<vmem>> -> memref<80xi32, #tpu.memory_space<vmem>>
      %dma_wait3A_63 = arith.constant 0 : i32
      %dma_wait3A_64 = arith.constant 0 : i32
      %dma_wait3A_65 = tpu.memref_slice %arg4[%dma_wait3A_63, %dma_wait3A_64] : memref<100000x128xf32, #tpu.memory_space<hbm>> -> memref<100000x128xf32, #tpu.memory_space<hbm>>
      tpu.wait_indirect_dma semaphore(%arg10 : memref<!tpu.dma_semaphore, #tpu.memory_space<semaphore_mem>>) src(%dma_wait3A_65 : memref<100000x128xf32, #tpu.memory_space<hbm>>) dst(%dma_wait3A_61 : memref<80x128xf32, #tpu.memory_space<vmem>>)
      %dma_start3A_66 = arith.constant 0 : i32
      %dma_start3A_67 = arith.constant 0 : i32
      %dma_start3A_68 = arith.constant 0 : i32
      %dma_start3A_69 = tpu.memref_slice %arg9[%dma_start3A_66, %dma_start3A_67, %dma_start3A_68] : memref<4x80x128xf32, #tpu.memory_space<vmem>> -> memref<1x80x128xf32, #tpu.memory_space<vmem>>
      %dma_start3A_70 = tpu.memref_squeeze %dma_start3A_69 : memref<1x80x128xf32, #tpu.memory_space<vmem>> -> memref<80x128xf32, #tpu.memory_space<vmem>>
      %dma_start3A_71 = tpu.memref_slice %arg8[%add3A_57] : memref<1600xi32, #tpu.memory_space<vmem>> -> memref<80xi32, #tpu.memory_space<vmem>>
      %dma_start3A_72 = arith.constant 0 : i32
      %dma_start3A_73 = arith.constant 0 : i32
      %dma_start3A_74 = tpu.memref_slice %arg5[%dma_start3A_72, %dma_start3A_73] : memref<1000x128xf32, #tpu.memory_space<hbm>> -> memref<1000x128xf32, #tpu.memory_space<hbm>>
      tpu.enqueue_indirect_dma source(%dma_start3A_74 : memref<1000x128xf32, #tpu.memory_space<hbm>>) target(%dma_start3A_70 : memref<80x128xf32, #tpu.memory_space<vmem>>) offsets(%dma_start3A_71 : memref<80xi32, #tpu.memory_space<vmem>>) semaphore(%arg11 : memref<!tpu.dma_semaphore, #tpu.memory_space<semaphore_mem>>) {add = true}
      %add3A_75 = arith.constant 80 : i32
      %add3A_76 = arith.addi %mul3A_12, %add3A_75 : i32
      %dma_wait3A_77 = arith.constant 1 : i32
      %dma_wait3A_78 = arith.constant 0 : i32
      %dma_wait3A_79 = arith.constant 0 : i32
      %dma_wait3A_80 = tpu.memref_slice %arg9[%dma_wait3A_77, %dma_wait3A_78, %dma_wait3A_79] : memref<4x80x128xf32, #tpu.memory_space<vmem>> -> memref<1x80x128xf32, #tpu.memory_space<vmem>>
      %dma_wait3A_81 = tpu.memref_squeeze %dma_wait3A_80 : memref<1x80x128xf32, #tpu.memory_space<vmem>> -> memref<80x128xf32, #tpu.memory_space<vmem>>
      %dma_wait3A_82 = tpu.memref_slice %arg7[%add3A_24] : memref<1600xi32, #tpu.memory_space<vmem>> -> memref<80xi32, #tpu.memory_space<vmem>>
      %dma_wait3A_83 = arith.constant 0 : i32
      %dma_wait3A_84 = arith.constant 0 : i32
      %dma_wait3A_85 = tpu.memref_slice %arg4[%dma_wait3A_83, %dma_wait3A_84] : memref<100000x128xf32, #tpu.memory_space<hbm>> -> memref<100000x128xf32, #tpu.memory_space<hbm>>
      tpu.wait_indirect_dma semaphore(%arg10 : memref<!tpu.dma_semaphore, #tpu.memory_space<semaphore_mem>>) src(%dma_wait3A_85 : memref<100000x128xf32, #tpu.memory_space<hbm>>) dst(%dma_wait3A_81 : memref<80x128xf32, #tpu.memory_space<vmem>>)
      %dma_start3A_86 = arith.constant 1 : i32
      %dma_start3A_87 = arith.constant 0 : i32
      %dma_start3A_88 = arith.constant 0 : i32
      %dma_start3A_89 = tpu.memref_slice %arg9[%dma_start3A_86, %dma_start3A_87, %dma_start3A_88] : memref<4x80x128xf32, #tpu.memory_space<vmem>> -> memref<1x80x128xf32, #tpu.memory_space<vmem>>
      %dma_start3A_90 = tpu.memref_squeeze %dma_start3A_89 : memref<1x80x128xf32, #tpu.memory_space<vmem>> -> memref<80x128xf32, #tpu.memory_space<vmem>>
      %dma_start3A_91 = tpu.memref_slice %arg8[%add3A_76] : memref<1600xi32, #tpu.memory_space<vmem>> -> memref<80xi32, #tpu.memory_space<vmem>>
      %dma_start3A_92 = arith.constant 0 : i32
      %dma_start3A_93 = arith.constant 0 : i32
      %dma_start3A_94 = tpu.memref_slice %arg5[%dma_start3A_92, %dma_start3A_93] : memref<1000x128xf32, #tpu.memory_space<hbm>> -> memref<1000x128xf32, #tpu.memory_space<hbm>>
      tpu.enqueue_indirect_dma source(%dma_start3A_94 : memref<1000x128xf32, #tpu.memory_space<hbm>>) target(%dma_start3A_90 : memref<80x128xf32, #tpu.memory_space<vmem>>) offsets(%dma_start3A_91 : memref<80xi32, #tpu.memory_space<vmem>>) semaphore(%arg11 : memref<!tpu.dma_semaphore, #tpu.memory_space<semaphore_mem>>) {add = true}
      %add3A_95 = arith.constant 160 : i32
      %add3A_96 = arith.addi %mul3A_12, %add3A_95 : i32
      %dma_wait3A_97 = arith.constant 2 : i32
      %dma_wait3A_98 = arith.constant 0 : i32
      %dma_wait3A_99 = arith.constant 0 : i32
      %dma_wait3A_100 = tpu.memref_slice %arg9[%dma_wait3A_97, %dma_wait3A_98, %dma_wait3A_99] : memref<4x80x128xf32, #tpu.memory_space<vmem>> -> memref<1x80x128xf32, #tpu.memory_space<vmem>>
      %dma_wait3A_101 = tpu.memref_squeeze %dma_wait3A_100 : memref<1x80x128xf32, #tpu.memory_space<vmem>> -> memref<80x128xf32, #tpu.memory_space<vmem>>
      %dma_wait3A_102 = tpu.memref_slice %arg7[%add3A_35] : memref<1600xi32, #tpu.memory_space<vmem>> -> memref<80xi32, #tpu.memory_space<vmem>>
      %dma_wait3A_103 = arith.constant 0 : i32
      %dma_wait3A_104 = arith.constant 0 : i32
      %dma_wait3A_105 = tpu.memref_slice %arg4[%dma_wait3A_103, %dma_wait3A_104] : memref<100000x128xf32, #tpu.memory_space<hbm>> -> memref<100000x128xf32, #tpu.memory_space<hbm>>
      tpu.wait_indirect_dma semaphore(%arg10 : memref<!tpu.dma_semaphore, #tpu.memory_space<semaphore_mem>>) src(%dma_wait3A_105 : memref<100000x128xf32, #tpu.memory_space<hbm>>) dst(%dma_wait3A_101 : memref<80x128xf32, #tpu.memory_space<vmem>>)
      %dma_start3A_106 = arith.constant 2 : i32
      %dma_start3A_107 = arith.constant 0 : i32
      %dma_start3A_108 = arith.constant 0 : i32
      %dma_start3A_109 = tpu.memref_slice %arg9[%dma_start3A_106, %dma_start3A_107, %dma_start3A_108] : memref<4x80x128xf32, #tpu.memory_space<vmem>> -> memref<1x80x128xf32, #tpu.memory_space<vmem>>
      %dma_start3A_110 = tpu.memref_squeeze %dma_start3A_109 : memref<1x80x128xf32, #tpu.memory_space<vmem>> -> memref<80x128xf32, #tpu.memory_space<vmem>>
      %dma_start3A_111 = tpu.memref_slice %arg8[%add3A_96] : memref<1600xi32, #tpu.memory_space<vmem>> -> memref<80xi32, #tpu.memory_space<vmem>>
      %dma_start3A_112 = arith.constant 0 : i32
      %dma_start3A_113 = arith.constant 0 : i32
      %dma_start3A_114 = tpu.memref_slice %arg5[%dma_start3A_112, %dma_start3A_113] : memref<1000x128xf32, #tpu.memory_space<hbm>> -> memref<1000x128xf32, #tpu.memory_space<hbm>>
      tpu.enqueue_indirect_dma source(%dma_start3A_114 : memref<1000x128xf32, #tpu.memory_space<hbm>>) target(%dma_start3A_110 : memref<80x128xf32, #tpu.memory_space<vmem>>) offsets(%dma_start3A_111 : memref<80xi32, #tpu.memory_space<vmem>>) semaphore(%arg11 : memref<!tpu.dma_semaphore, #tpu.memory_space<semaphore_mem>>) {add = true}
      %add3A_115 = arith.constant 240 : i32
      %add3A_116 = arith.addi %mul3A_12, %add3A_115 : i32
      %dma_wait3A_117 = arith.constant 3 : i32
      %dma_wait3A_118 = arith.constant 0 : i32
      %dma_wait3A_119 = arith.constant 0 : i32
      %dma_wait3A_120 = tpu.memref_slice %arg9[%dma_wait3A_117, %dma_wait3A_118, %dma_wait3A_119] : memref<4x80x128xf32, #tpu.memory_space<vmem>> -> memref<1x80x128xf32, #tpu.memory_space<vmem>>
      %dma_wait3A_121 = tpu.memref_squeeze %dma_wait3A_120 : memref<1x80x128xf32, #tpu.memory_space<vmem>> -> memref<80x128xf32, #tpu.memory_space<vmem>>
      %dma_wait3A_122 = tpu.memref_slice %arg7[%add3A_46] : memref<1600xi32, #tpu.memory_space<vmem>> -> memref<80xi32, #tpu.memory_space<vmem>>
      %dma_wait3A_123 = arith.constant 0 : i32
      %dma_wait3A_124 = arith.constant 0 : i32
      %dma_wait3A_125 = tpu.memref_slice %arg4[%dma_wait3A_123, %dma_wait3A_124] : memref<100000x128xf32, #tpu.memory_space<hbm>> -> memref<100000x128xf32, #tpu.memory_space<hbm>>
      tpu.wait_indirect_dma semaphore(%arg10 : memref<!tpu.dma_semaphore, #tpu.memory_space<semaphore_mem>>) src(%dma_wait3A_125 : memref<100000x128xf32, #tpu.memory_space<hbm>>) dst(%dma_wait3A_121 : memref<80x128xf32, #tpu.memory_space<vmem>>)
      %dma_start3A_126 = arith.constant 3 : i32
      %dma_start3A_127 = arith.constant 0 : i32
      %dma_start3A_128 = arith.constant 0 : i32
      %dma_start3A_129 = tpu.memref_slice %arg9[%dma_start3A_126, %dma_start3A_127, %dma_start3A_128] : memref<4x80x128xf32, #tpu.memory_space<vmem>> -> memref<1x80x128xf32, #tpu.memory_space<vmem>>
      %dma_start3A_130 = tpu.memref_squeeze %dma_start3A_129 : memref<1x80x128xf32, #tpu.memory_space<vmem>> -> memref<80x128xf32, #tpu.memory_space<vmem>>
      %dma_start3A_131 = tpu.memref_slice %arg8[%add3A_116] : memref<1600xi32, #tpu.memory_space<vmem>> -> memref<80xi32, #tpu.memory_space<vmem>>
      %dma_start3A_132 = arith.constant 0 : i32
      %dma_start3A_133 = arith.constant 0 : i32
      %dma_start3A_134 = tpu.memref_slice %arg5[%dma_start3A_132, %dma_start3A_133] : memref<1000x128xf32, #tpu.memory_space<hbm>> -> memref<1000x128xf32, #tpu.memory_space<hbm>>
      tpu.enqueue_indirect_dma source(%dma_start3A_134 : memref<1000x128xf32, #tpu.memory_space<hbm>>) target(%dma_start3A_130 : memref<80x128xf32, #tpu.memory_space<vmem>>) offsets(%dma_start3A_131 : memref<80xi32, #tpu.memory_space<vmem>>) semaphore(%arg11 : memref<!tpu.dma_semaphore, #tpu.memory_space<semaphore_mem>>) {add = true}
      %dma_wait3A_135 = arith.constant 0 : i32
      %dma_wait3A_136 = arith.constant 0 : i32
      %dma_wait3A_137 = arith.constant 0 : i32
      %dma_wait3A_138 = tpu.memref_slice %arg9[%dma_wait3A_135, %dma_wait3A_136, %dma_wait3A_137] : memref<4x80x128xf32, #tpu.memory_space<vmem>> -> memref<1x80x128xf32, #tpu.memory_space<vmem>>
      %dma_wait3A_139 = tpu.memref_squeeze %dma_wait3A_138 : memref<1x80x128xf32, #tpu.memory_space<vmem>> -> memref<80x128xf32, #tpu.memory_space<vmem>>
      %dma_wait3A_140 = tpu.memref_slice %arg8[%add3A_57] : memref<1600xi32, #tpu.memory_space<vmem>> -> memref<80xi32, #tpu.memory_space<vmem>>
      %dma_wait3A_141 = arith.constant 0 : i32
      %dma_wait3A_142 = arith.constant 0 : i32
      %dma_wait3A_143 = tpu.memref_slice %arg5[%dma_wait3A_141, %dma_wait3A_142] : memref<1000x128xf32, #tpu.memory_space<hbm>> -> memref<1000x128xf32, #tpu.memory_space<hbm>>
      tpu.wait_indirect_dma semaphore(%arg11 : memref<!tpu.dma_semaphore, #tpu.memory_space<semaphore_mem>>) src(%dma_wait3A_143 : memref<1000x128xf32, #tpu.memory_space<hbm>>) dst(%dma_wait3A_139 : memref<80x128xf32, #tpu.memory_space<vmem>>)
      %add3A_144 = arith.addi %mul3A_2, %mul3A_12 : i32
      %add3A_145 = arith.constant 0 : i32
      %add3A_146 = arith.addi %add3A_144, %add3A_145 : i32
      %dma_start3A_147 = arith.constant 0 : i32
      %dma_start3A_148 = arith.constant 0 : i32
      %dma_start3A_149 = arith.constant 0 : i32
      %dma_start3A_150 = tpu.memref_slice %arg9[%dma_start3A_147, %dma_start3A_148, %dma_start3A_149] : memref<4x80x128xf32, #tpu.memory_space<vmem>> -> memref<1x80x128xf32, #tpu.memory_space<vmem>>
      %dma_start3A_151 = tpu.memref_squeeze %dma_start3A_150 : memref<1x80x128xf32, #tpu.memory_space<vmem>> -> memref<80x128xf32, #tpu.memory_space<vmem>>
      %dma_start3A_152 = arith.constant 0 : i32
      %dma_start3A_153 = tpu.memref_slice %arg6[%add3A_146, %dma_start3A_152] : memref<51200x128xf32, #tpu.memory_space<hbm>> -> memref<80x128xf32, #tpu.memory_space<hbm>>
      %dma_start3A_154 = arith.constant 0 : i32
      %dma_start3A_155 = tpu.memref_slice %arg6[%add3A_146, %dma_start3A_154] : memref<51200x128xf32, #tpu.memory_space<hbm>> -> memref<80x128xf32, #tpu.memory_space<hbm>>
      %dma_start3A_156 = arith.constant 0 : i32
      %dma_start3A_157 = arith.constant 0 : i32
      %dma_start3A_158 = tpu.memref_slice %arg9[%dma_start3A_147, %dma_start3A_156, %dma_start3A_157] : memref<4x80x128xf32, #tpu.memory_space<vmem>> -> memref<1x80x128xf32, #tpu.memory_space<vmem>>
      %dma_start3A_159 = tpu.memref_squeeze %dma_start3A_158 : memref<1x80x128xf32, #tpu.memory_space<vmem>> -> memref<80x128xf32, #tpu.memory_space<vmem>>
      tpu.enqueue_dma source(%dma_start3A_159 : memref<80x128xf32, #tpu.memory_space<vmem>>) target(%dma_start3A_155 : memref<80x128xf32, #tpu.memory_space<hbm>>) target_semaphore(%arg12 : memref<!tpu.dma_semaphore, #tpu.memory_space<semaphore_mem>>)
      %dma_wait3A_160 = arith.constant 1 : i32
      %dma_wait3A_161 = arith.constant 0 : i32
      %dma_wait3A_162 = arith.constant 0 : i32
      %dma_wait3A_163 = tpu.memref_slice %arg9[%dma_wait3A_160, %dma_wait3A_161, %dma_wait3A_162] : memref<4x80x128xf32, #tpu.memory_space<vmem>> -> memref<1x80x128xf32, #tpu.memory_space<vmem>>
      %dma_wait3A_164 = tpu.memref_squeeze %dma_wait3A_163 : memref<1x80x128xf32, #tpu.memory_space<vmem>> -> memref<80x128xf32, #tpu.memory_space<vmem>>
      %dma_wait3A_165 = tpu.memref_slice %arg8[%add3A_76] : memref<1600xi32, #tpu.memory_space<vmem>> -> memref<80xi32, #tpu.memory_space<vmem>>
      %dma_wait3A_166 = arith.constant 0 : i32
      %dma_wait3A_167 = arith.constant 0 : i32
      %dma_wait3A_168 = tpu.memref_slice %arg5[%dma_wait3A_166, %dma_wait3A_167] : memref<1000x128xf32, #tpu.memory_space<hbm>> -> memref<1000x128xf32, #tpu.memory_space<hbm>>
      tpu.wait_indirect_dma semaphore(%arg11 : memref<!tpu.dma_semaphore, #tpu.memory_space<semaphore_mem>>) src(%dma_wait3A_168 : memref<1000x128xf32, #tpu.memory_space<hbm>>) dst(%dma_wait3A_164 : memref<80x128xf32, #tpu.memory_space<vmem>>)
      %add3A_169 = arith.addi %mul3A_2, %mul3A_12 : i32
      %add3A_170 = arith.constant 80 : i32
      %add3A_171 = arith.addi %add3A_169, %add3A_170 : i32
      %dma_start3A_172 = arith.constant 1 : i32
      %dma_start3A_173 = arith.constant 0 : i32
      %dma_start3A_174 = arith.constant 0 : i32
      %dma_start3A_175 = tpu.memref_slice %arg9[%dma_start3A_172, %dma_start3A_173, %dma_start3A_174] : memref<4x80x128xf32, #tpu.memory_space<vmem>> -> memref<1x80x128xf32, #tpu.memory_space<vmem>>
      %dma_start3A_176 = tpu.memref_squeeze %dma_start3A_175 : memref<1x80x128xf32, #tpu.memory_space<vmem>> -> memref<80x128xf32, #tpu.memory_space<vmem>>
      %dma_start3A_177 = arith.constant 0 : i32
      %dma_start3A_178 = tpu.memref_slice %arg6[%add3A_171, %dma_start3A_177] : memref<51200x128xf32, #tpu.memory_space<hbm>> -> memref<80x128xf32, #tpu.memory_space<hbm>>
      %dma_start3A_179 = arith.constant 0 : i32
      %dma_start3A_180 = tpu.memref_slice %arg6[%add3A_171, %dma_start3A_179] : memref<51200x128xf32, #tpu.memory_space<hbm>> -> memref<80x128xf32, #tpu.memory_space<hbm>>
      %dma_start3A_181 = arith.constant 0 : i32
      %dma_start3A_182 = arith.constant 0 : i32
      %dma_start3A_183 = tpu.memref_slice %arg9[%dma_start3A_172, %dma_start3A_181, %dma_start3A_182] : memref<4x80x128xf32, #tpu.memory_space<vmem>> -> memref<1x80x128xf32, #tpu.memory_space<vmem>>
      %dma_start3A_184 = tpu.memref_squeeze %dma_start3A_183 : memref<1x80x128xf32, #tpu.memory_space<vmem>> -> memref<80x128xf32, #tpu.memory_space<vmem>>
      tpu.enqueue_dma source(%dma_start3A_184 : memref<80x128xf32, #tpu.memory_space<vmem>>) target(%dma_start3A_180 : memref<80x128xf32, #tpu.memory_space<hbm>>) target_semaphore(%arg12 : memref<!tpu.dma_semaphore, #tpu.memory_space<semaphore_mem>>)
      %dma_wait3A_185 = arith.constant 2 : i32
      %dma_wait3A_186 = arith.constant 0 : i32
      %dma_wait3A_187 = arith.constant 0 : i32
      %dma_wait3A_188 = tpu.memref_slice %arg9[%dma_wait3A_185, %dma_wait3A_186, %dma_wait3A_187] : memref<4x80x128xf32, #tpu.memory_space<vmem>> -> memref<1x80x128xf32, #tpu.memory_space<vmem>>
      %dma_wait3A_189 = tpu.memref_squeeze %dma_wait3A_188 : memref<1x80x128xf32, #tpu.memory_space<vmem>> -> memref<80x128xf32, #tpu.memory_space<vmem>>
      %dma_wait3A_190 = tpu.memref_slice %arg8[%add3A_96] : memref<1600xi32, #tpu.memory_space<vmem>> -> memref<80xi32, #tpu.memory_space<vmem>>
      %dma_wait3A_191 = arith.constant 0 : i32
      %dma_wait3A_192 = arith.constant 0 : i32
      %dma_wait3A_193 = tpu.memref_slice %arg5[%dma_wait3A_191, %dma_wait3A_192] : memref<1000x128xf32, #tpu.memory_space<hbm>> -> memref<1000x128xf32, #tpu.memory_space<hbm>>
      tpu.wait_indirect_dma semaphore(%arg11 : memref<!tpu.dma_semaphore, #tpu.memory_space<semaphore_mem>>) src(%dma_wait3A_193 : memref<1000x128xf32, #tpu.memory_space<hbm>>) dst(%dma_wait3A_189 : memref<80x128xf32, #tpu.memory_space<vmem>>)
      %add3A_194 = arith.addi %mul3A_2, %mul3A_12 : i32
      %add3A_195 = arith.constant 160 : i32
      %add3A_196 = arith.addi %add3A_194, %add3A_195 : i32
      %dma_start3A_197 = arith.constant 2 : i32
      %dma_start3A_198 = arith.constant 0 : i32
      %dma_start3A_199 = arith.constant 0 : i32
      %dma_start3A_200 = tpu.memref_slice %arg9[%dma_start3A_197, %dma_start3A_198, %dma_start3A_199] : memref<4x80x128xf32, #tpu.memory_space<vmem>> -> memref<1x80x128xf32, #tpu.memory_space<vmem>>
      %dma_start3A_201 = tpu.memref_squeeze %dma_start3A_200 : memref<1x80x128xf32, #tpu.memory_space<vmem>> -> memref<80x128xf32, #tpu.memory_space<vmem>>
      %dma_start3A_202 = arith.constant 0 : i32
      %dma_start3A_203 = tpu.memref_slice %arg6[%add3A_196, %dma_start3A_202] : memref<51200x128xf32, #tpu.memory_space<hbm>> -> memref<80x128xf32, #tpu.memory_space<hbm>>
      %dma_start3A_204 = arith.constant 0 : i32
      %dma_start3A_205 = tpu.memref_slice %arg6[%add3A_196, %dma_start3A_204] : memref<51200x128xf32, #tpu.memory_space<hbm>> -> memref<80x128xf32, #tpu.memory_space<hbm>>
      %dma_start3A_206 = arith.constant 0 : i32
      %dma_start3A_207 = arith.constant 0 : i32
      %dma_start3A_208 = tpu.memref_slice %arg9[%dma_start3A_197, %dma_start3A_206, %dma_start3A_207] : memref<4x80x128xf32, #tpu.memory_space<vmem>> -> memref<1x80x128xf32, #tpu.memory_space<vmem>>
      %dma_start3A_209 = tpu.memref_squeeze %dma_start3A_208 : memref<1x80x128xf32, #tpu.memory_space<vmem>> -> memref<80x128xf32, #tpu.memory_space<vmem>>
      tpu.enqueue_dma source(%dma_start3A_209 : memref<80x128xf32, #tpu.memory_space<vmem>>) target(%dma_start3A_205 : memref<80x128xf32, #tpu.memory_space<hbm>>) target_semaphore(%arg12 : memref<!tpu.dma_semaphore, #tpu.memory_space<semaphore_mem>>)
      %dma_wait3A_210 = arith.constant 3 : i32
      %dma_wait3A_211 = arith.constant 0 : i32
      %dma_wait3A_212 = arith.constant 0 : i32
      %dma_wait3A_213 = tpu.memref_slice %arg9[%dma_wait3A_210, %dma_wait3A_211, %dma_wait3A_212] : memref<4x80x128xf32, #tpu.memory_space<vmem>> -> memref<1x80x128xf32, #tpu.memory_space<vmem>>
      %dma_wait3A_214 = tpu.memref_squeeze %dma_wait3A_213 : memref<1x80x128xf32, #tpu.memory_space<vmem>> -> memref<80x128xf32, #tpu.memory_space<vmem>>
      %dma_wait3A_215 = tpu.memref_slice %arg8[%add3A_116] : memref<1600xi32, #tpu.memory_space<vmem>> -> memref<80xi32, #tpu.memory_space<vmem>>
      %dma_wait3A_216 = arith.constant 0 : i32
      %dma_wait3A_217 = arith.constant 0 : i32
      %dma_wait3A_218 = tpu.memref_slice %arg5[%dma_wait3A_216, %dma_wait3A_217] : memref<1000x128xf32, #tpu.memory_space<hbm>> -> memref<1000x128xf32, #tpu.memory_space<hbm>>
      tpu.wait_indirect_dma semaphore(%arg11 : memref<!tpu.dma_semaphore, #tpu.memory_space<semaphore_mem>>) src(%dma_wait3A_218 : memref<1000x128xf32, #tpu.memory_space<hbm>>) dst(%dma_wait3A_214 : memref<80x128xf32, #tpu.memory_space<vmem>>)
      %add3A_219 = arith.addi %mul3A_2, %mul3A_12 : i32
      %add3A_220 = arith.constant 240 : i32
      %add3A_221 = arith.addi %add3A_219, %add3A_220 : i32
      %dma_start3A_222 = arith.constant 3 : i32
      %dma_start3A_223 = arith.constant 0 : i32
      %dma_start3A_224 = arith.constant 0 : i32
      %dma_start3A_225 = tpu.memref_slice %arg9[%dma_start3A_222, %dma_start3A_223, %dma_start3A_224] : memref<4x80x128xf32, #tpu.memory_space<vmem>> -> memref<1x80x128xf32, #tpu.memory_space<vmem>>
      %dma_start3A_226 = tpu.memref_squeeze %dma_start3A_225 : memref<1x80x128xf32, #tpu.memory_space<vmem>> -> memref<80x128xf32, #tpu.memory_space<vmem>>
      %dma_start3A_227 = arith.constant 0 : i32
      %dma_start3A_228 = tpu.memref_slice %arg6[%add3A_221, %dma_start3A_227] : memref<51200x128xf32, #tpu.memory_space<hbm>> -> memref<80x128xf32, #tpu.memory_space<hbm>>
      %dma_start3A_229 = arith.constant 0 : i32
      %dma_start3A_230 = tpu.memref_slice %arg6[%add3A_221, %dma_start3A_229] : memref<51200x128xf32, #tpu.memory_space<hbm>> -> memref<80x128xf32, #tpu.memory_space<hbm>>
      %dma_start3A_231 = arith.constant 0 : i32
      %dma_start3A_232 = arith.constant 0 : i32
      %dma_start3A_233 = tpu.memref_slice %arg9[%dma_start3A_222, %dma_start3A_231, %dma_start3A_232] : memref<4x80x128xf32, #tpu.memory_space<vmem>> -> memref<1x80x128xf32, #tpu.memory_space<vmem>>
      %dma_start3A_234 = tpu.memref_squeeze %dma_start3A_233 : memref<1x80x128xf32, #tpu.memory_space<vmem>> -> memref<80x128xf32, #tpu.memory_space<vmem>>
      tpu.enqueue_dma source(%dma_start3A_234 : memref<80x128xf32, #tpu.memory_space<vmem>>) target(%dma_start3A_230 : memref<80x128xf32, #tpu.memory_space<hbm>>) target_semaphore(%arg12 : memref<!tpu.dma_semaphore, #tpu.memory_space<semaphore_mem>>)
      %dma_wait3A_235 = arith.constant 0 : i32
      %dma_wait3A_236 = arith.constant 0 : i32
      %dma_wait3A_237 = arith.constant 0 : i32
      %dma_wait3A_238 = tpu.memref_slice %arg9[%dma_wait3A_235, %dma_wait3A_236, %dma_wait3A_237] : memref<4x80x128xf32, #tpu.memory_space<vmem>> -> memref<1x80x128xf32, #tpu.memory_space<vmem>>
      %dma_wait3A_239 = tpu.memref_squeeze %dma_wait3A_238 : memref<1x80x128xf32, #tpu.memory_space<vmem>> -> memref<80x128xf32, #tpu.memory_space<vmem>>
      %dma_wait3A_240 = arith.constant 0 : i32
      %dma_wait3A_241 = tpu.memref_slice %arg6[%add3A_146, %dma_wait3A_240] : memref<51200x128xf32, #tpu.memory_space<hbm>> -> memref<80x128xf32, #tpu.memory_space<hbm>>
      %dma_wait3A_242 = arith.constant 0 : i32
      %dma_wait3A_243 = tpu.memref_slice %arg6[%add3A_146, %dma_wait3A_242] : memref<51200x128xf32, #tpu.memory_space<hbm>> -> memref<80x128xf32, #tpu.memory_space<hbm>>
      %dma_wait3A_244 = arith.constant 0 : i32
      %dma_wait3A_245 = arith.constant 0 : i32
      %dma_wait3A_246 = tpu.memref_slice %arg9[%dma_wait3A_235, %dma_wait3A_244, %dma_wait3A_245] : memref<4x80x128xf32, #tpu.memory_space<vmem>> -> memref<1x80x128xf32, #tpu.memory_space<vmem>>
      %dma_wait3A_247 = tpu.memref_squeeze %dma_wait3A_246 : memref<1x80x128xf32, #tpu.memory_space<vmem>> -> memref<80x128xf32, #tpu.memory_space<vmem>>
      tpu.wait_dma2 semaphore(%arg12 : memref<!tpu.dma_semaphore, #tpu.memory_space<semaphore_mem>>) src(%dma_wait3A_247 : memref<80x128xf32, #tpu.memory_space<vmem>>) dst(%dma_wait3A_243 : memref<80x128xf32, #tpu.memory_space<hbm>>)
      %dma_wait3A_248 = arith.constant 1 : i32
      %dma_wait3A_249 = arith.constant 0 : i32
      %dma_wait3A_250 = arith.constant 0 : i32
      %dma_wait3A_251 = tpu.memref_slice %arg9[%dma_wait3A_248, %dma_wait3A_249, %dma_wait3A_250] : memref<4x80x128xf32, #tpu.memory_space<vmem>> -> memref<1x80x128xf32, #tpu.memory_space<vmem>>
      %dma_wait3A_252 = tpu.memref_squeeze %dma_wait3A_251 : memref<1x80x128xf32, #tpu.memory_space<vmem>> -> memref<80x128xf32, #tpu.memory_space<vmem>>
      %dma_wait3A_253 = arith.constant 0 : i32
      %dma_wait3A_254 = tpu.memref_slice %arg6[%add3A_171, %dma_wait3A_253] : memref<51200x128xf32, #tpu.memory_space<hbm>> -> memref<80x128xf32, #tpu.memory_space<hbm>>
      %dma_wait3A_255 = arith.constant 0 : i32
      %dma_wait3A_256 = tpu.memref_slice %arg6[%add3A_171, %dma_wait3A_255] : memref<51200x128xf32, #tpu.memory_space<hbm>> -> memref<80x128xf32, #tpu.memory_space<hbm>>
      %dma_wait3A_257 = arith.constant 0 : i32
      %dma_wait3A_258 = arith.constant 0 : i32
      %dma_wait3A_259 = tpu.memref_slice %arg9[%dma_wait3A_248, %dma_wait3A_257, %dma_wait3A_258] : memref<4x80x128xf32, #tpu.memory_space<vmem>> -> memref<1x80x128xf32, #tpu.memory_space<vmem>>
      %dma_wait3A_260 = tpu.memref_squeeze %dma_wait3A_259 : memref<1x80x128xf32, #tpu.memory_space<vmem>> -> memref<80x128xf32, #tpu.memory_space<vmem>>
      tpu.wait_dma2 semaphore(%arg12 : memref<!tpu.dma_semaphore, #tpu.memory_space<semaphore_mem>>) src(%dma_wait3A_260 : memref<80x128xf32, #tpu.memory_space<vmem>>) dst(%dma_wait3A_256 : memref<80x128xf32, #tpu.memory_space<hbm>>)
      %dma_wait3A_261 = arith.constant 2 : i32
      %dma_wait3A_262 = arith.constant 0 : i32
      %dma_wait3A_263 = arith.constant 0 : i32
      %dma_wait3A_264 = tpu.memref_slice %arg9[%dma_wait3A_261, %dma_wait3A_262, %dma_wait3A_263] : memref<4x80x128xf32, #tpu.memory_space<vmem>> -> memref<1x80x128xf32, #tpu.memory_space<vmem>>
      %dma_wait3A_265 = tpu.memref_squeeze %dma_wait3A_264 : memref<1x80x128xf32, #tpu.memory_space<vmem>> -> memref<80x128xf32, #tpu.memory_space<vmem>>
      %dma_wait3A_266 = arith.constant 0 : i32
      %dma_wait3A_267 = tpu.memref_slice %arg6[%add3A_196, %dma_wait3A_266] : memref<51200x128xf32, #tpu.memory_space<hbm>> -> memref<80x128xf32, #tpu.memory_space<hbm>>
      %dma_wait3A_268 = arith.constant 0 : i32
      %dma_wait3A_269 = tpu.memref_slice %arg6[%add3A_196, %dma_wait3A_268] : memref<51200x128xf32, #tpu.memory_space<hbm>> -> memref<80x128xf32, #tpu.memory_space<hbm>>
      %dma_wait3A_270 = arith.constant 0 : i32
      %dma_wait3A_271 = arith.constant 0 : i32
      %dma_wait3A_272 = tpu.memref_slice %arg9[%dma_wait3A_261, %dma_wait3A_270, %dma_wait3A_271] : memref<4x80x128xf32, #tpu.memory_space<vmem>> -> memref<1x80x128xf32, #tpu.memory_space<vmem>>
      %dma_wait3A_273 = tpu.memref_squeeze %dma_wait3A_272 : memref<1x80x128xf32, #tpu.memory_space<vmem>> -> memref<80x128xf32, #tpu.memory_space<vmem>>
      tpu.wait_dma2 semaphore(%arg12 : memref<!tpu.dma_semaphore, #tpu.memory_space<semaphore_mem>>) src(%dma_wait3A_273 : memref<80x128xf32, #tpu.memory_space<vmem>>) dst(%dma_wait3A_269 : memref<80x128xf32, #tpu.memory_space<hbm>>)
      %dma_wait3A_274 = arith.constant 3 : i32
      %dma_wait3A_275 = arith.constant 0 : i32
      %dma_wait3A_276 = arith.constant 0 : i32
      %dma_wait3A_277 = tpu.memref_slice %arg9[%dma_wait3A_274, %dma_wait3A_275, %dma_wait3A_276] : memref<4x80x128xf32, #tpu.memory_space<vmem>> -> memref<1x80x128xf32, #tpu.memory_space<vmem>>
      %dma_wait3A_278 = tpu.memref_squeeze %dma_wait3A_277 : memref<1x80x128xf32, #tpu.memory_space<vmem>> -> memref<80x128xf32, #tpu.memory_space<vmem>>
      %dma_wait3A_279 = arith.constant 0 : i32
      %dma_wait3A_280 = tpu.memref_slice %arg6[%add3A_221, %dma_wait3A_279] : memref<51200x128xf32, #tpu.memory_space<hbm>> -> memref<80x128xf32, #tpu.memory_space<hbm>>
      %dma_wait3A_281 = arith.constant 0 : i32
      %dma_wait3A_282 = tpu.memref_slice %arg6[%add3A_221, %dma_wait3A_281] : memref<51200x128xf32, #tpu.memory_space<hbm>> -> memref<80x128xf32, #tpu.memory_space<hbm>>
      %dma_wait3A_283 = arith.constant 0 : i32
      %dma_wait3A_284 = arith.constant 0 : i32
      %dma_wait3A_285 = tpu.memref_slice %arg9[%dma_wait3A_274, %dma_wait3A_283, %dma_wait3A_284] : memref<4x80x128xf32, #tpu.memory_space<vmem>> -> memref<1x80x128xf32, #tpu.memory_space<vmem>>
      %dma_wait3A_286 = tpu.memref_squeeze %dma_wait3A_285 : memref<1x80x128xf32, #tpu.memory_space<vmem>> -> memref<80x128xf32, #tpu.memory_space<vmem>>
      tpu.wait_dma2 semaphore(%arg12 : memref<!tpu.dma_semaphore, #tpu.memory_space<semaphore_mem>>) src(%dma_wait3A_286 : memref<80x128xf32, #tpu.memory_space<vmem>>) dst(%dma_wait3A_282 : memref<80x128xf32, #tpu.memory_space<hbm>>)
    }
    %scan3A_7 = arith.constant 5 : i32
    return
  }
}

module attributes {stable_mosaic.version = 14 : i64} {
  func.func @_tc_dec_body(%arg0: i32, %arg1: memref<2x5120xi32, #tpu.memory_space<vmem>>, %arg2: memref<50x128xf32, #tpu.memory_space<vmem>>, %arg3: memref<1x128xf32, #tpu.memory_space<vmem>>, %arg4: memref<1x128xf32, #tpu.memory_space<vmem>>, %arg5: memref<3x128xf32, #tpu.memory_space<vmem>>, %arg6: memref<5120x128xf32, #tpu.memory_space<vmem>>) attributes {dimension_semantics = [#tpu.dimension_semantics<parallel>], iteration_bounds = array<i64: 10>, scalar_prefetch = 0 : i64, scratch_operands = 0 : i64, tpu.core_type = #tpu.core_type<tc>, window_params = [{transform_indices = @transform_0, window_bounds = array<i64: 2, 5120>}, {pipeline_mode = #tpu.pipeline_mode<synchronous>, transform_indices = @transform_1, window_bounds = array<i64: 50, 128>}, {pipeline_mode = #tpu.pipeline_mode<synchronous>, transform_indices = @transform_2, window_bounds = array<i64: 1, 128>}, {pipeline_mode = #tpu.pipeline_mode<synchronous>, transform_indices = @transform_3, window_bounds = array<i64: 1, 128>}, {pipeline_mode = #tpu.pipeline_mode<synchronous>, transform_indices = @transform_4, window_bounds = array<i64: 3, 128>}, {transform_indices = @transform_5, window_bounds = array<i64: 5120, 128>}]} {
    %get3A = arith.constant 0 : index
    %get3A_0 = arith.constant 0 : index
    %get3A_1 = vector.load %arg3[%get3A, %get3A_0] : memref<1x128xf32, #tpu.memory_space<vmem>>, vector<1x128xf32>
    %get3A_2 = arith.constant 0 : index
    %get3A_3 = arith.constant 0 : index
    %get3A_4 = vector.load %arg4[%get3A_2, %get3A_3] : memref<1x128xf32, #tpu.memory_space<vmem>>, vector<1x128xf32>
    %get3A_5 = arith.constant 0 : index
    %get3A_6 = arith.constant 0 : index
    %get3A_7 = vector.load %arg5[%get3A_5, %get3A_6] : memref<3x128xf32, #tpu.memory_space<vmem>>, vector<3x128xf32>
    %get3A_8 = arith.constant 0 : index
    %get3A_9 = arith.constant 0 : index
    %get3A_10 = vector.load %arg2[%get3A_8, %get3A_9] : memref<50x128xf32, #tpu.memory_space<vmem>>, vector<50x128xf32>
    %get3A_11 = arith.constant 0 : index
    %get3A_12 = arith.constant 0 : index
    %get3A_13 = vector.load %arg1[%get3A_11, %get3A_12] : memref<2x5120xi32, #tpu.memory_space<vmem>>, vector<1x5120xi32>
    %get3A_14 = arith.constant 1 : index
    %get3A_15 = arith.constant 0 : index
    %get3A_16 = vector.load %arg1[%get3A_14, %get3A_15] : memref<2x5120xi32, #tpu.memory_space<vmem>>, vector<1x5120xi32>
    %bitcast_convert_type3A = tpu.bitcast %get3A_16 : vector<1x5120xi32> -> vector<1x5120xf32>
    %broadcast_in_dim3A = arith.constant 1.000000e+00 : f32
    %broadcast_in_dim3A_17 = vector.broadcast %broadcast_in_dim3A : f32 to vector<1x5120xf32>
    %eq3A = arith.constant 0 : i32
    %eq3A_18 = vector.broadcast %eq3A : i32 to vector<1x5120xi32>
    %eq3A_19 = arith.cmpi eq, %get3A_13, %eq3A_18 : vector<1x5120xi32>
    %convert_element_type3A = arith.extui %eq3A_19 : vector<1x5120xi1> to vector<1x5120xi32>
    %convert_element_type3A_20 = arith.sitofp %convert_element_type3A : vector<1x5120xi32> to vector<1x5120xf32>
    %eq3A_21 = arith.constant 1 : i32
    %eq3A_22 = vector.broadcast %eq3A_21 : i32 to vector<1x5120xi32>
    %eq3A_23 = arith.cmpi eq, %get3A_13, %eq3A_22 : vector<1x5120xi32>
    %convert_element_type3A_24 = arith.extui %eq3A_23 : vector<1x5120xi1> to vector<1x5120xi32>
    %convert_element_type3A_25 = arith.sitofp %convert_element_type3A_24 : vector<1x5120xi32> to vector<1x5120xf32>
    %eq3A_26 = arith.constant 2 : i32
    %eq3A_27 = vector.broadcast %eq3A_26 : i32 to vector<1x5120xi32>
    %eq3A_28 = arith.cmpi eq, %get3A_13, %eq3A_27 : vector<1x5120xi32>
    %convert_element_type3A_29 = arith.extui %eq3A_28 : vector<1x5120xi1> to vector<1x5120xi32>
    %convert_element_type3A_30 = arith.sitofp %convert_element_type3A_29 : vector<1x5120xi32> to vector<1x5120xf32>
    %concatenate3A = tpu.concatenate %convert_element_type3A_20, %convert_element_type3A_25, %convert_element_type3A_30 in 0 : vector<1x5120xf32>, vector<1x5120xf32>, vector<1x5120xf32> -> vector<3x5120xf32>
    %mul3A = arith.constant 5 : i32
    %mul3A_31 = arith.muli %arg0, %mul3A : i32
    %iota3A = tpu.iota {dimensions = array<i32: 1>} : vector<50x5120xi32>
    %jit3A = arith.constant 1024 : i32
    %div3A = vector.broadcast %jit3A : i32 to vector<50x5120xi32>
    %div3A_32 = arith.divsi %iota3A, %div3A : vector<50x5120xi32>
    %sign3A = arith.constant 0 : i32
    %sign3A_33 = vector.broadcast %sign3A : i32 to vector<50x5120xi32>
    %sign3A_34 = arith.cmpi sgt, %iota3A, %sign3A_33 : vector<50x5120xi32>
    %sign3A_35 = arith.extui %sign3A_34 : vector<50x5120xi1> to vector<50x5120xi32>
    %sign3A_36 = arith.constant 0 : i32
    %sign3A_37 = vector.broadcast %sign3A_36 : i32 to vector<50x5120xi32>
    %sign3A_38 = arith.cmpi slt, %iota3A, %sign3A_37 : vector<50x5120xi32>
    %sign3A_39 = arith.extui %sign3A_38 : vector<50x5120xi1> to vector<50x5120xi32>
    %sign3A_40 = arith.subi %sign3A_35, %sign3A_39 : vector<50x5120xi32>
    %sign3A_41 = arith.constant 0 : i32
    %sign3A_42 = arith.cmpi sgt, %jit3A, %sign3A_41 : i32
    %sign3A_43 = arith.extui %sign3A_42 : i1 to i32
    %sign3A_44 = arith.constant 0 : i32
    %sign3A_45 = arith.cmpi slt, %jit3A, %sign3A_44 : i32
    %sign3A_46 = arith.extui %sign3A_45 : i1 to i32
    %sign3A_47 = arith.subi %sign3A_43, %sign3A_46 : i32
    %ne3A = vector.broadcast %sign3A_47 : i32 to vector<50x5120xi32>
    %ne3A_48 = arith.cmpi ne, %sign3A_40, %ne3A : vector<50x5120xi32>
    %rem3A = vector.broadcast %jit3A : i32 to vector<50x5120xi32>
    %rem3A_49 = arith.remsi %iota3A, %rem3A : vector<50x5120xi32>
    %ne3A_50 = arith.constant 0 : i32
    %ne3A_51 = vector.broadcast %ne3A_50 : i32 to vector<50x5120xi32>
    %ne3A_52 = arith.cmpi ne, %rem3A_49, %ne3A_51 : vector<50x5120xi32>
    %and3A = arith.andi %ne3A_48, %ne3A_52 : vector<50x5120xi1>
    %sub3A = arith.constant 1 : i32
    %sub3A_53 = vector.broadcast %sub3A : i32 to vector<50x5120xi32>
    %sub3A_54 = arith.subi %div3A_32, %sub3A_53 : vector<50x5120xi32>
    %select_n3A = arith.select %and3A, %sub3A_54, %div3A_32 : vector<50x5120xi1>, vector<50x5120xi32>
    %add3A = vector.broadcast %mul3A_31 : i32 to vector<50x5120xi32>
    %add3A_55 = arith.addi %add3A, %select_n3A : vector<50x5120xi32>
    %iota3A_56 = tpu.iota {dimensions = array<i32: 0>} : vector<50x5120xi32>
    %eq3A_57 = arith.cmpi eq, %add3A_55, %iota3A_56 : vector<50x5120xi32>
    %convert_element_type3A_58 = arith.extui %eq3A_57 : vector<50x5120xi1> to vector<50x5120xi32>
    %convert_element_type3A_59 = arith.sitofp %convert_element_type3A_58 : vector<50x5120xi32> to vector<50x5120xf32>
    %concatenate3A_60 = tpu.concatenate %concatenate3A, %bitcast_convert_type3A, %broadcast_in_dim3A_17, %convert_element_type3A_59 in 0 : vector<3x5120xf32>, vector<1x5120xf32>, vector<1x5120xf32>, vector<50x5120xf32> -> vector<55x5120xf32>
    %concatenate3A_61 = tpu.concatenate %get3A_7, %get3A_1, %get3A_4, %get3A_10 in 0 : vector<3x128xf32>, vector<1x128xf32>, vector<1x128xf32>, vector<50x128xf32> -> vector<55x128xf32>
    %dot_general3A = arith.constant dense<0.000000e+00> : vector<5120x128xf32>
    %dot_general3A_62 = tpu.matmul %concatenate3A_60, %concatenate3A_61, %dot_general3A {dimension_numbers = #tpu.dot_dimension_numbers<[0], [0], [1], [1], [0, 1, 1, 1], [], []>, transpose_lhs_hint = false} : vector<55x5120xf32>, vector<55x128xf32>, vector<5120x128xf32> -> vector<5120x128xf32>
    %swap3A = arith.constant 0 : index
    %swap3A_63 = arith.constant 0 : index
    %swap3A_64 = vector.load %arg6[%swap3A, %swap3A_63] : memref<5120x128xf32, #tpu.memory_space<vmem>>, vector<5120x128xf32>
    tpu.vector_store %arg6[%swap3A, %swap3A_63], %dot_general3A_62 {strides = array<i32>} : memref<5120x128xf32, #tpu.memory_space<vmem>>, vector<5120x128xf32>,
    return
  }
  func.func @transform_0(%arg0: i32) -> (i32, i32) {
    %c0_i32 = arith.constant 0 : i32
    %c0_i32_0 = arith.constant 0 : i32
    return %c0_i32, %arg0 : i32, i32
  }
  func.func @transform_1(%arg0: i32) -> (i32, i32) {
    %c0_i32 = arith.constant 0 : i32
    %c0_i32_0 = arith.constant 0 : i32
    %c0_i32_1 = arith.constant 0 : i32
    return %c0_i32, %c0_i32_0 : i32, i32
  }
  func.func @transform_2(%arg0: i32) -> (i32, i32) {
    %c0_i32 = arith.constant 0 : i32
    %c0_i32_0 = arith.constant 0 : i32
    %c0_i32_1 = arith.constant 0 : i32
    return %c0_i32, %c0_i32_0 : i32, i32
  }
  func.func @transform_3(%arg0: i32) -> (i32, i32) {
    %c0_i32 = arith.constant 0 : i32
    %c0_i32_0 = arith.constant 0 : i32
    %c0_i32_1 = arith.constant 0 : i32
    return %c0_i32, %c0_i32_0 : i32, i32
  }
  func.func @transform_4(%arg0: i32) -> (i32, i32) {
    %c0_i32 = arith.constant 0 : i32
    %c0_i32_0 = arith.constant 0 : i32
    %c0_i32_1 = arith.constant 0 : i32
    return %c0_i32, %c0_i32_0 : i32, i32
  }
  func.func @transform_5(%arg0: i32) -> (i32, i32) {
    %c0_i32 = arith.constant 0 : i32
    %c0_i32_0 = arith.constant 0 : i32
    return %arg0, %c0_i32 : i32, i32
  }
}

module attributes {stable_mosaic.version = 14 : i64} {
  func.func @_tc_enc_body(%arg0: i32, %arg1: memref<2x4x1024xi32, #tpu.memory_space<vmem>>, %arg2: memref<2048x768xf32, #tpu.memory_space<vmem>>, %arg3: memref<2x1x128xf32, #tpu.memory_space<vmem>>, %arg4: memref<768x128xf32, #tpu.memory_space<vmem>>, %arg5: memref<1x128xf32, #tpu.memory_space<vmem>>, %arg6: memref<2048x128xf32, #tpu.memory_space<vmem>>) attributes {dimension_semantics = [#tpu.dimension_semantics<parallel>], iteration_bounds = array<i64: 25>, scalar_prefetch = 0 : i64, scratch_operands = 0 : i64, tpu.core_type = #tpu.core_type<tc>, window_params = [{transform_indices = @transform_0, window_bounds = array<i64: 2, 4, 1024>}, {transform_indices = @transform_1, window_bounds = array<i64: 2048, 768>}, {transform_indices = @transform_2, window_bounds = array<i64: 2, 1, 128>}, {pipeline_mode = #tpu.pipeline_mode<synchronous>, transform_indices = @transform_3, window_bounds = array<i64: 768, 128>}, {pipeline_mode = #tpu.pipeline_mode<synchronous>, transform_indices = @transform_4, window_bounds = array<i64: 1, 128>}, {transform_indices = @transform_5, window_bounds = array<i64: 2048, 128>}]} {
    %get3A = arith.constant 0 : index
    %get3A_0 = arith.constant 0 : index
    %get3A_1 = vector.load %arg4[%get3A, %get3A_0] : memref<768x128xf32, #tpu.memory_space<vmem>>, vector<768x128xf32>
    %get3A_2 = arith.constant 0 : index
    %get3A_3 = arith.constant 0 : index
    %get3A_4 = vector.load %arg5[%get3A_2, %get3A_3] : memref<1x128xf32, #tpu.memory_space<vmem>>, vector<1x128xf32>
    %broadcast_in_dim3A = arith.constant 1.000000e+00 : f32
    %broadcast_in_dim3A_5 = vector.broadcast %broadcast_in_dim3A : f32 to vector<1x1024xf32>
    %broadcast_in_dim3A_6 = arith.constant 1.000000e+00 : f32
    %broadcast_in_dim3A_7 = vector.broadcast %broadcast_in_dim3A_6 : f32 to vector<1x128xf32>
    %get3A_8 = arith.constant 0 : index
    %get3A_9 = arith.constant 0 : index
    %get3A_10 = vector.load %arg2[%get3A_8, %get3A_9] : memref<2048x768xf32, #tpu.memory_space<vmem>>, vector<2048x768xf32>
    %dot_general3A = arith.constant dense<0.000000e+00> : vector<2048x128xf32>
    %dot_general3A_11 = tpu.matmul %get3A_10, %get3A_1, %dot_general3A {dimension_numbers = #tpu.dot_dimension_numbers<[1], [0], [0], [1], [0, 0, 1, 1], [], []>, transpose_lhs_hint = false} : vector<2048x768xf32>, vector<768x128xf32>, vector<2048x128xf32> -> vector<2048x128xf32>
    %get3A_12 = arith.constant 0 : index
    %get3A_13 = arith.constant 0 : index
    %get3A_14 = arith.constant 0 : index
    %get3A_15 = vector.load %arg1[%get3A_12, %get3A_13, %get3A_14] : memref<2x4x1024xi32, #tpu.memory_space<vmem>>, vector<1x4x1024xi32>
    %get3A_16 = vector.shape_cast %get3A_15 : vector<1x4x1024xi32> to vector<4x1024xi32>
    %get3A_17 = arith.constant 0 : index
    %get3A_18 = arith.constant 0 : index
    %get3A_19 = arith.constant 0 : index
    %get3A_20 = vector.load %arg3[%get3A_17, %get3A_18, %get3A_19] : memref<2x1x128xf32, #tpu.memory_space<vmem>>, vector<1x1x128xf32>
    %get3A_21 = vector.shape_cast %get3A_20 : vector<1x1x128xf32> to vector<1x128xf32>
    %slice3A = vector.extract_strided_slice %get3A_16 {offsets = [0, 0], sizes = [1, 1024], strides = [1, 1]} : vector<4x1024xi32> to vector<1x1024xi32>
    %slice3A_22 = vector.extract_strided_slice %get3A_16 {offsets = [1, 0], sizes = [1, 1024], strides = [1, 1]} : vector<4x1024xi32> to vector<1x1024xi32>
    %add3A = arith.addi %slice3A, %slice3A_22 : vector<1x1024xi32>
    %convert_element_type3A = arith.sitofp %add3A : vector<1x1024xi32> to vector<1x1024xf32>
    %concatenate3A = tpu.concatenate %convert_element_type3A, %broadcast_in_dim3A_5 in 0 : vector<1x1024xf32>, vector<1x1024xf32> -> vector<2x1024xf32>
    %add3A_23 = arith.addf %get3A_4, %get3A_21 : vector<1x128xf32>
    %concatenate3A_24 = tpu.concatenate %broadcast_in_dim3A_7, %add3A_23 in 0 : vector<1x128xf32>, vector<1x128xf32> -> vector<2x128xf32>
    %slice3A_25 = vector.extract_strided_slice %dot_general3A_11 {offsets = [0, 0], sizes = [1024, 128], strides = [1, 1]} : vector<2048x128xf32> to vector<1024x128xf32>
    %dot_general3A_26 = arith.constant dense<0.000000e+00> : vector<1024x128xf32>
    %dot_general3A_27 = tpu.matmul %concatenate3A, %concatenate3A_24, %dot_general3A_26 {dimension_numbers = #tpu.dot_dimension_numbers<[0], [0], [1], [1], [0, 1, 1, 1], [], []>, transpose_lhs_hint = false} : vector<2x1024xf32>, vector<2x128xf32>, vector<1024x128xf32> -> vector<1024x128xf32>
    %add3A_28 = arith.addf %slice3A_25, %dot_general3A_27 : vector<1024x128xf32>
    %swap3A = arith.constant 0 : index
    %swap3A_29 = arith.constant 0 : index
    %swap3A_30 = vector.load %arg6[%swap3A, %swap3A_29] : memref<2048x128xf32, #tpu.memory_space<vmem>>, vector<1024x128xf32>
    tpu.vector_store %arg6[%swap3A, %swap3A_29], %add3A_28 {strides = array<i32>} : memref<2048x128xf32, #tpu.memory_space<vmem>>, vector<1024x128xf32>,
    %get3A_31 = arith.constant 1 : index
    %get3A_32 = arith.constant 0 : index
    %get3A_33 = arith.constant 0 : index
    %get3A_34 = vector.load %arg1[%get3A_31, %get3A_32, %get3A_33] : memref<2x4x1024xi32, #tpu.memory_space<vmem>>, vector<1x4x1024xi32>
    %get3A_35 = vector.shape_cast %get3A_34 : vector<1x4x1024xi32> to vector<4x1024xi32>
    %get3A_36 = arith.constant 1 : index
    %get3A_37 = arith.constant 0 : index
    %get3A_38 = arith.constant 0 : index
    %get3A_39 = vector.load %arg3[%get3A_36, %get3A_37, %get3A_38] : memref<2x1x128xf32, #tpu.memory_space<vmem>>, vector<1x1x128xf32>
    %get3A_40 = vector.shape_cast %get3A_39 : vector<1x1x128xf32> to vector<1x128xf32>
    %slice3A_41 = vector.extract_strided_slice %get3A_35 {offsets = [0, 0], sizes = [1, 1024], strides = [1, 1]} : vector<4x1024xi32> to vector<1x1024xi32>
    %slice3A_42 = vector.extract_strided_slice %get3A_35 {offsets = [1, 0], sizes = [1, 1024], strides = [1, 1]} : vector<4x1024xi32> to vector<1x1024xi32>
    %add3A_43 = arith.addi %slice3A_41, %slice3A_42 : vector<1x1024xi32>
    %convert_element_type3A_44 = arith.sitofp %add3A_43 : vector<1x1024xi32> to vector<1x1024xf32>
    %concatenate3A_45 = tpu.concatenate %convert_element_type3A_44, %broadcast_in_dim3A_5 in 0 : vector<1x1024xf32>, vector<1x1024xf32> -> vector<2x1024xf32>
    %add3A_46 = arith.addf %get3A_4, %get3A_40 : vector<1x128xf32>
    %concatenate3A_47 = tpu.concatenate %broadcast_in_dim3A_7, %add3A_46 in 0 : vector<1x128xf32>, vector<1x128xf32> -> vector<2x128xf32>
    %slice3A_48 = vector.extract_strided_slice %dot_general3A_11 {offsets = [1024, 0], sizes = [1024, 128], strides = [1, 1]} : vector<2048x128xf32> to vector<1024x128xf32>
    %dot_general3A_49 = arith.constant dense<0.000000e+00> : vector<1024x128xf32>
    %dot_general3A_50 = tpu.matmul %concatenate3A_45, %concatenate3A_47, %dot_general3A_49 {dimension_numbers = #tpu.dot_dimension_numbers<[0], [0], [1], [1], [0, 1, 1, 1], [], []>, transpose_lhs_hint = false} : vector<2x1024xf32>, vector<2x128xf32>, vector<1024x128xf32> -> vector<1024x128xf32>
    %add3A_51 = arith.addf %slice3A_48, %dot_general3A_50 : vector<1024x128xf32>
    %swap3A_52 = arith.constant 1024 : index
    %swap3A_53 = arith.constant 0 : index
    %swap3A_54 = vector.load %arg6[%swap3A_52, %swap3A_53] : memref<2048x128xf32, #tpu.memory_space<vmem>>, vector<1024x128xf32>
    tpu.vector_store %arg6[%swap3A_52, %swap3A_53], %add3A_51 {strides = array<i32>} : memref<2048x128xf32, #tpu.memory_space<vmem>>, vector<1024x128xf32>,
    return
  }
  func.func @transform_0(%arg0: i32) -> (i32, i32, i32) {
    %c0_i32 = arith.constant 0 : i32
    %c0_i32_0 = arith.constant 0 : i32
    %c0_i32_1 = arith.constant 0 : i32
    return %arg0, %c0_i32, %c0_i32_0 : i32, i32, i32
  }
  func.func @transform_1(%arg0: i32) -> (i32, i32) {
    %c0_i32 = arith.constant 0 : i32
    %c0_i32_0 = arith.constant 0 : i32
    return %arg0, %c0_i32 : i32, i32
  }
  func.func @transform_2(%arg0: i32) -> (i32, i32, i32) {
    %c0_i32 = arith.constant 0 : i32
    %c0_i32_0 = arith.constant 0 : i32
    %c0_i32_1 = arith.constant 0 : i32
    return %arg0, %c0_i32, %c0_i32_0 : i32, i32, i32
  }
  func.func @transform_3(%arg0: i32) -> (i32, i32) {
    %c0_i32 = arith.constant 0 : i32
    %c0_i32_0 = arith.constant 0 : i32
    %c0_i32_1 = arith.constant 0 : i32
    return %c0_i32, %c0_i32_0 : i32, i32
  }
  func.func @transform_4(%arg0: i32) -> (i32, i32) {
    %c0_i32 = arith.constant 0 : i32
    %c0_i32_0 = arith.constant 0 : i32
    %c0_i32_1 = arith.constant 0 : i32
    return %c0_i32, %c0_i32_0 : i32, i32
  }
  func.func @transform_5(%arg0: i32) -> (i32, i32) {
    %c0_i32 = arith.constant 0 : i32
    %c0_i32_0 = arith.constant 0 : i32
    return %arg0, %c0_i32 : i32, i32
  }
}

module attributes {stable_mosaic.version = 14 : i64} {
  func.func @_tc_out_body(%arg0: i32, %arg1: memref<2048x768xf32, #tpu.memory_space<vmem>>, %arg2: memref<2048x128xf32, #tpu.memory_space<vmem>>, %arg3: memref<768x128xf32, #tpu.memory_space<vmem>>, %arg4: memref<1x128xf32, #tpu.memory_space<vmem>>, %arg5: memref<2048x128xf32, #tpu.memory_space<vmem>>) attributes {dimension_semantics = [#tpu.dimension_semantics<parallel>], iteration_bounds = array<i64: 25>, scalar_prefetch = 0 : i64, scratch_operands = 0 : i64, tpu.core_type = #tpu.core_type<tc>, window_params = [{transform_indices = @transform_0, window_bounds = array<i64: 2048, 768>}, {transform_indices = @transform_1, window_bounds = array<i64: 2048, 128>}, {pipeline_mode = #tpu.pipeline_mode<synchronous>, transform_indices = @transform_2, window_bounds = array<i64: 768, 128>}, {pipeline_mode = #tpu.pipeline_mode<synchronous>, transform_indices = @transform_3, window_bounds = array<i64: 1, 128>}, {transform_indices = @transform_4, window_bounds = array<i64: 2048, 128>}]} {
    %get3A = arith.constant 0 : index
    %get3A_0 = arith.constant 0 : index
    %get3A_1 = vector.load %arg1[%get3A, %get3A_0] : memref<2048x768xf32, #tpu.memory_space<vmem>>, vector<2048x768xf32>
    %get3A_2 = arith.constant 0 : index
    %get3A_3 = arith.constant 0 : index
    %get3A_4 = vector.load %arg3[%get3A_2, %get3A_3] : memref<768x128xf32, #tpu.memory_space<vmem>>, vector<768x128xf32>
    %dot_general3A = arith.constant dense<0.000000e+00> : vector<2048x128xf32>
    %dot_general3A_5 = tpu.matmul %get3A_1, %get3A_4, %dot_general3A {dimension_numbers = #tpu.dot_dimension_numbers<[1], [0], [0], [1], [0, 0, 1, 1], [], []>, transpose_lhs_hint = false} : vector<2048x768xf32>, vector<768x128xf32>, vector<2048x128xf32> -> vector<2048x128xf32>
    %get3A_6 = arith.constant 0 : index
    %get3A_7 = arith.constant 0 : index
    %get3A_8 = vector.load %arg4[%get3A_6, %get3A_7] : memref<1x128xf32, #tpu.memory_space<vmem>>, vector<1x128xf32>
    %add3A = vector.broadcast %get3A_8 : vector<1x128xf32> to vector<2048x128xf32>
    %add3A_9 = arith.addf %dot_general3A_5, %add3A : vector<2048x128xf32>
    %get3A_10 = arith.constant 0 : index
    %get3A_11 = arith.constant 0 : index
    %get3A_12 = vector.load %arg2[%get3A_10, %get3A_11] : memref<2048x128xf32, #tpu.memory_space<vmem>>, vector<2048x128xf32>
    %add3A_13 = arith.addf %add3A_9, %get3A_12 : vector<2048x128xf32>
    %swap3A = arith.constant 0 : index
    %swap3A_14 = arith.constant 0 : index
    %swap3A_15 = vector.load %arg5[%swap3A, %swap3A_14] : memref<2048x128xf32, #tpu.memory_space<vmem>>, vector<2048x128xf32>
    tpu.vector_store %arg5[%swap3A, %swap3A_14], %add3A_13 {strides = array<i32>} : memref<2048x128xf32, #tpu.memory_space<vmem>>, vector<2048x128xf32>,
    return
  }
  func.func @transform_0(%arg0: i32) -> (i32, i32) {
    %c0_i32 = arith.constant 0 : i32
    %c0_i32_0 = arith.constant 0 : i32
    return %arg0, %c0_i32 : i32, i32
  }
  func.func @transform_1(%arg0: i32) -> (i32, i32) {
    %c0_i32 = arith.constant 0 : i32
    %c0_i32_0 = arith.constant 0 : i32
    return %arg0, %c0_i32 : i32, i32
  }
  func.func @transform_2(%arg0: i32) -> (i32, i32) {
    %c0_i32 = arith.constant 0 : i32
    %c0_i32_0 = arith.constant 0 : i32
    %c0_i32_1 = arith.constant 0 : i32
    return %c0_i32, %c0_i32_0 : i32, i32
  }
  func.func @transform_3(%arg0: i32) -> (i32, i32) {
    %c0_i32 = arith.constant 0 : i32
    %c0_i32_0 = arith.constant 0 : i32
    %c0_i32_1 = arith.constant 0 : i32
    return %c0_i32, %c0_i32_0 : i32, i32
  }
  func.func @transform_4(%arg0: i32) -> (i32, i32) {
    %c0_i32 = arith.constant 0 : i32
    %c0_i32_0 = arith.constant 0 : i32
    return %arg0, %c0_i32 : i32, i32
  }
}

</mosaic_0001>

<sc_bundles>
// kernel: kernel.6.cloned.1.call-start
scs
__scs_entry_jumppad:
0x0: {  	(pc) =	sbr.rel $0x88, $3  }
0x1: {  	(tag) =	ssettag $0x0;
	lr =	simm.s32 $0x1  }
0x2: {  	[smem:$0x3F91] =	sst lr;
	_ =	strace $0xD0000000  }
0x3: {  	_ = 	snop  }
0x4: {  	_ = 	snop  }
0x5: {  	_ = 	snop  }
0x6: {  	_ = 	snop  }
0x7: {  	_ = 	snop  }
__scs_overlays_trampoline_lowered:
0x8: {  	[smem:$0x3FA0] =	sst s0  }
0x9: {  	[smem:$0x3FA1] =	sst s1  }
0xa: {  	[smem:$0x3FA2] =	sst s2  }
0xb: {  	[smem:$0x3FA3] =	sst s3  }
0xc: {  	[smem:$0x3FA4] =	sst s4  }
0xd: {  	[smem:$0x3FA5] =	sst s5  }
0xe: {  	[smem:$0x3FA6] =	sst s6  }
0xf: {  	[smem:$0x3FA7] =	sst s7  }
0x10: {  	[smem:$0x3FA8] =	sst s8  }
0x11: {  	[smem:$0x3FA9] =	sst s9;
	s0 =	simm.s32 @!p0 $0x0  }
0x12: {  	s1 =	sld [smem:$0x3F8F];
	s0 =	simm.s32 @p0 $0x1  }
0x13: {  	[smem:$0x3FAA] =	sst s0;
	s0 =	simm.s32 @!p1 $0x0  }
0x14: {  	s2 =	sld [smem:$0x3F8E];
	s0 =	simm.s32 @p1 $0x1  }
0x15: {  	[smem:$0x3FAB] =	sst s0;
	s0 =	simm.s32 @!p2 $0x0  }
0x16: {  	s3 =	sld [smem:$0x3FDB];
	s0 =	simm.s32 @p2 $0x1  }
0x17: {  	s4 =	simm.s32 $0x1BF5;
	[smem:$0x3FAD] =	sst s0  }
0x18: {  	s0 =	sld [smem:$0x3F90];
	_ =	swait.ge [sflag:s4], $0x0  }
0x19: {  	s7 =	sld [smem:$0x3F91]  }
0x1a: {  	s8 =	sadd.s32 $0xFFFFE003, lr  }
0x1b: {  	s9 =	sadd.s32 $0xFFFFFEF7, lr;
	s5 =	simm.s32 $0xFFFFFFFF;
	p2 =	slt.u32 s8, $0xFFFFF086  }
0x1c: {  	p1 =	slt.u32 s9, $0xF7A;
	s5 =	simm.s32 @!p2 $0x0  }
0x1d: {  	s5 =	simm.s32 @p1 $0x1;
	p0 =	seq.s32 s7, s2  }
0x1e: {  	s7 =	smul.u32 @!p0 $0xF7A, s2;
	p2 =	seq.s32 @!p0 s5, $0x0  }
0x1f: {  	s9 =	smul.u32 $0xF7A, s1;
	s8 =	simm.s32 @!p0 $0x1BF5;
	p2 =	por !p2, p0  }
0x20: {  	[sflag:s8] =	ssyncset.s32 @!p0 $0xFFFFF086;
	s6 =	sadd.s32 @!p0 s3, s7;
	s7 =	simm.s32 @!p0 $0x108  }
0x21: {  	s3 =	sadd.s32 s3, s9;
	s6 =	sadd.s32 @!p0 $0x88, s6;
	s7 =	simm.s32 @p2 $0x1082  }
0x22: {  	[simem:s7], [sflag:s8] =	dma.local @!p0 [hbm:s6], $0xF7A  }
0x23: {  	s9 =	sor.u32 $0xD0000000, s2;
	s6 =	simm.s32 $0x108;
	_ =	swait.ge @!p0 [sflag:s8], $0x0  }
0x24: {  	s3 =	sadd.s32 $0x88, s3;
	s6 =	simm.s32 @!p1 $0x1082;
	[sflag:s4] =	ssyncset.s32 $0xFFFFF086  }
0x25: {  	[simem:s6], [sflag:s4] =	dma.local [hbm:s3], $0xF7A  }
0x26: {  	[smem:$0x3F91] =	sst s1;
	(tag) =	ssettag s2;
	_ =	strace s9  }
0x27: {  	s1 =	sld [smem:$0x3FA1]  }
0x28: {  	s2 =	sld [smem:$0x3FA2]  }
0x29: {  	s4 =	sld [smem:$0x3FA4]  }
0x2a: {  	p0 =	seq.s32 s5, $0x0;
	s5 =	sld [smem:$0x3FA5]  }
0x2b: {  	s6 =	sld [smem:$0x3FA6]  }
0x2c: {  	s7 =	sld [smem:$0x3FA7]  }
0x2d: {  	s3 =	simm.s32 $0x108;
	s8 =	sld [smem:$0x3FA8]  }
0x2e: {  	s3 =	simm.s32 @!p0 $0x1082;
	s9 =	sld [smem:$0x3FA9]  }
0x2f: {  	lr =	sadd.s32 s0, s3;
	s0 =	sld [smem:$0x3FA0]  }
0x30: {  	s3 =	sld [smem:$0x3FA3]  }
0x31: {  	[smem:$0x3FAC] =	sst s10  }
0x32: {  	s10 =	sld [smem:$0x3FAA];
	_ =	sdelay $0x3  }
0x33: {  	p0 =	seq.s32 s10, $0x1;
	s10 =	sld [smem:$0x3FAC];
	_ =	sdelay $0x3  }
0x34: {  	[smem:$0x3FAC] =	sst s10  }
0x35: {  	s10 =	sld [smem:$0x3FAB];
	_ =	sdelay $0x3  }
0x36: {  	p1 =	seq.s32 s10, $0x1;
	s10 =	sld [smem:$0x3FAC];
	_ =	sdelay $0x3  }
0x37: {  	[smem:$0x3FAC] =	sst s10  }
0x38: {  	s10 =	sld [smem:$0x3FAD]  }
0x39: {  	_ = 	snop;
	(pc) =	sbr.ind lr, $3  }
0x3a: {  	_ = 	snop  }
0x3b: {  	_ = 	snop  }
0x3c: {  	p2 =	seq.s32 s10, $0x1;
	s10 =	sld [smem:$0x3FAC]  }
0x3d: {  	_ =	shalt  }
0x3e: {  	_ =	shalt  }
0x3f: {  	_ =	shalt  }
0x40: {  	_ =	shalt  }
0x41: {  	_ =	shalt  }
0x42: {  	_ =	shalt  }
0x43: {  	_ =	shalt  }
0x44: {  	_ =	shalt  }
0x45: {  	_ =	shalt  }
0x46: {  	_ =	shalt  }
0x47: {  	_ =	shalt  }
0x48: {  	_ =	shalt  }
0x49: {  	_ =	shalt  }
0x4a: {  	_ =	shalt  }
0x4b: {  	_ =	shalt  }
0x4c: {  	_ =	shalt  }
0x4d: {  	_ =	shalt  }
0x4e: {  	_ =	shalt  }
0x4f: {  	_ =	shalt  }
0x50: {  	_ =	shalt  }
0x51: {  	_ =	shalt  }
0x52: {  	_ =	shalt  }
0x53: {  	_ =	shalt  }
0x54: {  	_ =	shalt  }
0x55: {  	_ =	shalt  }
0x56: {  	_ =	shalt  }
0x57: {  	_ =	shalt  }
0x58: {  	_ =	shalt  }
0x59: {  	_ =	shalt  }
0x5a: {  	_ =	shalt  }
0x5b: {  	_ =	shalt  }
0x5c: {  	_ =	shalt  }
0x5d: {  	_ =	shalt  }
0x5e: {  	_ =	shalt  }
0x5f: {  	_ =	shalt  }
0x60: {  	_ =	shalt  }
0x61: {  	_ =	shalt  }
0x62: {  	_ =	shalt  }
0x63: {  	_ =	shalt  }
0x64: {  	_ =	shalt  }
0x65: {  	_ =	shalt  }
0x66: {  	_ =	shalt  }
0x67: {  	_ =	shalt  }
0x68: {  	_ =	shalt  }
0x69: {  	_ =	shalt  }
0x6a: {  	_ =	shalt  }
0x6b: {  	_ =	shalt  }
0x6c: {  	_ =	shalt  }
0x6d: {  	_ =	shalt  }
0x6e: {  	_ =	shalt  }
0x6f: {  	_ =	shalt  }
0x70: {  	_ =	shalt  }
0x71: {  	_ =	shalt  }
0x72: {  	_ =	shalt  }
0x73: {  	_ =	shalt  }
0x74: {  	_ =	shalt  }
0x75: {  	_ =	shalt  }
0x76: {  	_ =	shalt  }
0x77: {  	_ =	shalt  }
0x78: {  	_ =	shalt  }
0x79: {  	_ =	shalt  }
0x7a: {  	_ =	shalt  }
0x7b: {  	_ =	shalt  }
0x7c: {  	_ =	shalt  }
0x7d: {  	_ =	shalt  }
0x7e: {  	_ =	shalt  }
0x7f: {  	_ =	shalt  }
0x80: {  	_ =	shalt  }
0x81: {  	_ =	shalt  }
0x82: {  	_ =	shalt  }
0x83: {  	_ =	shalt  }
0x84: {  	_ =	shalt  }
0x85: {  	_ =	shalt  }
0x86: {  	_ =	shalt  }
0x87: {  	_ =	shalt  }
.Lfunc_end0:
.L_simem_size_0:
called_computation_lowered:
.L_overlay_start_0:
0x88: {  	s2 =	sld [smem:$0x3FD9]  }
0x89: {  	s3 =	sld [smem:$0x3FFE];
	_ =	sdelay $0x1  }
0x8a: {  	s1 =	srdreg.scid  }
0x8b: {  	s0 =	sand.u32 $0x1, s1  }
0x8c: {  	s14 =	sshll.u32 s0, $0xA;
	s2 =	sadd.s32 s3, s2  }
0x8d: {  	s2 =	sadd.s32 s2, s14  }
0x8e: {  	[smem:$0x3FB8] =	sst s2  }
0x8f: {  	_ = 	snop  }
0x90: {  	s2 =	sld [smem:$0x3FD0];
	_ =	sdelay $0x1  }
0x91: {  	s15 =	sld [smem:$0x3FC1]  }
0x92: {  	s5 =	simm.s32 $0xA;
	s6 =	simm.s32 $0x10;
	s4 =	sld [smem:$0x3FC0]  }
0x93: {  	[smem:s6], [sflag:s5] =	dma.local [hbm:s2], $0x1  }
0x94: {  	_ =	swait.eq [sflag:s5], $0x1  }
0x95: {  	[sflag:s5] =	ssyncset.done $0x0  }
0x96: {  	[sflag:s5] =	ssyncadd.s32 $0xFFFFFFFF  }
0x97: {  	s16 =	sld [smem:$0x12];
	(tm) =	ssettm $0x1  }
0x98: {  	s17 =	sld [smem:$0x3FFB];
	_ =	sdelay $0x3  }
0x99: {  	_ =	strace s17  }
0x9a: {  	s5 =	sld [smem:$0x3FFC];
	_ =	sdelay $0x3  }
0x9b: {  	_ =	strace s5  }
0x9c: {  	s5 =	sld [smem:$0x3FFD];
	_ =	sdelay $0x3  }
0x9d: {  	_ =	strace s5  }
0x9e: {  	_ =	strace $0x8FFFFFFF  }
0x9f: {  	s18 =	sld [smem:$0x3FDB];
	_ =	sdelay $0x1  }
0xa0: {  	s19 =	simm.s32 $_scs_section_size  }
0xa1: {  	s7 =	simm.s32 $_size__tile_overlayer_lowered;
	s8 =	simm.s32 $_tile_overlayer_lowered  }
0xa2: {  	s22 =	simm.s32 $0x1BFF;
	s21 =	sshll.u32 s8, $0x1;
	s5 =	sadd.s32 s19, s18  }
0xa3: {  	s9 =	simm.s32 $0x0;
	s20 =	sshll.u32 s7, $0x1;
	s7 =	sadd.s32 s21, s5  }
0xa4: {  	[timem:s9], [sflag:s22] =	dma.local [hbm:s7], s20  }
0xa5: {  	_ =	swait.ge [sflag:s22], s20  }
0xa6: {  	s6 =	ssub.s32 $0x0, s20;
	[sflag:s22] =	ssyncset.done $0x0  }
0xa7: {  	[sflag:s22] =	ssyncadd.s32 s6;
	_ =	sdelay $0x1  }
0xa8: {  	s23 =	simm.s32 $0x1B8B  }
0xa9: {  	_ =	swait.ge [sflag:s23], $0x1  }
0xaa: {  	[sflag:s23] =	ssyncset.done $0x0  }
0xab: {  	s25 =	simm.s32 $0x1B8E;
	s24 =	sld [smem:$0x3FFE];
	[sflag:s23] =	ssyncadd.s32 $0xFFFFFFFF  }
0xac: {  	s26 =	simm.s32 $execute0_lowered;
	[smem:$0x3FD2] =	sst s25  }
0xad: {  	s7 =	sshll.u32 s26, $0x1;
	_ =	strace $0x80000046;
	[dreg:$0x1] =	wrdreg $0xFFFFFFFF  }
0xae: {  	s28 =	simm.s32 $_size_execute0_lowered;
	s5 =	sadd.s32 s5, s7;
	[dreg:$0x0] =	wrdreg $0x0  }
0xaf: {  	s7 =	sshll.u32 s28, $0x1;
	[dreg:$0x2] =	wrdreg s5  }
0xb0: {  	[dreg:$0x3] =	wrdreg s7  }
0xb1: {  	[dreg:$0x4] =	wrdreg $0xC0  }
0xb2: {  	_ =	task [dreg:s9], $0x5FFFF  }
0xb3: {  	[dreg:$0x1] =	wrdreg $0xFFFFFFFF  }
0xb4: {  	[dreg:$0x0] =	wrdreg $0x60  }
0xb5: {  	[dreg:$0x2] =	wrdreg s16  }
0xb6: {  	[dreg:$0x3] =	wrdreg s24  }
0xb7: {  	[dreg:$0x4] =	wrdreg s15  }
0xb8: {  	[dreg:$0x5] =	wrdreg s4  }
0xb9: {  	[dreg:$0x6] =	wrdreg $0x9  }
0xba: {  	_ =	task.clear_ibuf [dreg:s9], $0x7FFFF;
	_ =	strace $0x90000046  }
0xbb: {  	s29 =	simm.s32 $0x9;
	_ =	strace $0x80000048  }
0xbc: {  	_ =	swait.ge [sflag:s29], $0x1  }
0xbd: {  	[sflag:s29] =	ssyncadd.s32 $0xFFFFFFFF  }
0xbe: {  	_ =	strace $0x90000048  }
0xbf: {  	_ =	sfence  }
0xc0: {  	s30 =	sld [smem:$0x0];
	_ =	sdelay $0x2  }
0xc1: {  	s31 =	sshll.u32 s1, $0xD;
	s1 =	sshrl.u32 s1, $0x2  }
0xc2: {  	s3 =	sand.u32 $0x4000, s31;
	s1 =	sadd.s32 s1, s30  }
0xc3: {  	s0 =	sor.u32 s3, s0;
	s1 =	sshll.u32 s1, $0x11  }
0xc4: {  	s0 =	sor.u32 s1, s0  }
0xc5: {  	s0 =	sadd.s32 $0x8F2B, s0  }
0xc6: {  	[sflag:s0] =	ssyncadd.remote.s32 $0x1  }
0xc7: {  	_ =	sfence.sel $0xFFFF  }
0xc8: {  	[dreg:$0x0] =	wrdreg $0xFFFFFFFF;
	(pc) =	sbr.abs _section_cstart, $3  }
0xc9: {  	[dreg:$0x1] =	wrdreg $0xFFFFFFFF  }
0xca: {  	_ =	task.clear_ibuf [dreg:s9], $0x2FFFF;
	_ =	strace $0x9FFFFFFF  }
0xcb: {  	(tm) =	ssettm $0x7FFFFFFF  }
tec
execute0_lowered:
.L_overlay_start_1:
0x0: {  	(tag) =	ssettag $0x1  }
0x1: {  	s5 =	rddreg [dreg:$0x0]  }
0x2: {  	s6 =	rddreg [dreg:$0x1]  }
0x3: {  	s2 =	rddreg [dreg:$0x2]  }
0x4: {  	s1 =	srdreg.scid;
	s0 =	stileid.u32  }
0x5: {  	s3 =	rddreg [dreg:$0x3];
	s4 =	simm.s32 $0x0;
	s14 =	simm.s32 $0x5D00  }
0x6: {  	s15 =	simm.s32 $0x8500;
	s16 =	simm.s32 $0x1;
	s17 =	simm.s32 $0x2  }
0x7: {  	s18 =	simm.s32 $0x3;
	s7 =	sand.u32 $0x1, s1;
	s1 =	rddreg [dreg:$0x4]  }
0x8: {  	s19 =	simm.s32 $0x0;
	s8 =	sshll.u32 s0, $0x1;
	[smem:$0x7FF] =	sst s4  }
0x9: {  	s9 =	smul.u32 $0xC800, s0;
	s8 =	sor.u32 s7, s8;
	s10 =	ssub.s32 $0x2, s7  }
0xa: {  	_ =	strace $0x80000047;
	s13 =	smul.u32 $0x6400, s7;
	s12 =	sshrl.u32 s10, $0x1  }
0xb: {  	s8 =	smul.u32 $0x640, s8;
	s9 =	sadd.s32 s9, s6;
	s30 =	ssub.s32 s10, s12  }
0xc: {  	s31 =	sadd.s32 s13, s9;
	s9 =	simm.s32 $0x4;
	s10 =	simm.s32 $0x680  }
0xd: {  	s12 =	simm.s32 $0xD00;
	s13 =	simm.s32 $0x3500;
	s8 =	sshrl.u32 s8, $0x3  }
0xe: {  	s7 =	smax.u32 s30, $0x1;
	s11 =	sadd.s32 s8, s6;
	s5 =	sadd.s32 s5, s8  }
0xf: {  	s8 =	sadd.s32 $0x4300, s31;
	s6 =	sadd.s32 $0x1A00, s11;
	s11 =	simm.s32 $0x50  }
.LBB2_1:
0x10: {  	[tilespmem:s4], [sflag:$0x4] =	stream.linear.gather [hbm4b:s5+s4], $0x640, $0x38;
	[tilespmem:$0xAD00] =	vst v63  }
0x11: {  	_ =	swait.ge [sflag:s9], $0x640  }
0x12: {  	[sflag:s9] =	ssyncset.done $0x0  }
0x13: {  	[sflag:s9] =	ssyncadd.s32 $0xFFFFF9C0  }
0x14: {  	[tilespmem:s10], [sflag:$0x4] =	stream.linear.gather [hbm4b:s6+s4], $0x640, $0x38;
	[tilespmem:$0xAD00] =	vst v63  }
0x15: {  	_ =	swait.ge [sflag:s9], $0x640  }
0x16: {  	[sflag:s9] =	ssyncset.done $0x0  }
0x17: {  	s20 =	simm.s32 $0x0;
	[sflag:s9] =	ssyncadd.s32 $0xFFFFF9C0  }
0x18: {  	[tilespmem:s12], [sflag:$0x1] =	stream.indirect.gather [hbm4b:s2+s11], $0x80, s20, s11, $0xb8;
	[tilespmem:$0xAD00] =	vst v63  }
0x19: {  	s21 =	simm.s32 $0x50  }
0x1a: {  	[tilespmem:s13], [sflag:$0x1] =	stream.indirect.gather [hbm4b:s2+s11], $0x80, s21, s11, $0xb8;
	[tilespmem:$0xAD00] =	vst v63  }
0x1b: {  	s22 =	simm.s32 $0xA0  }
0x1c: {  	[tilespmem:s14], [sflag:$0x1] =	stream.indirect.gather [hbm4b:s2+s11], $0x80, s22, s11, $0xb8;
	[tilespmem:$0xAD00] =	vst v63  }
0x1d: {  	s23 =	simm.s32 $0xF0  }
0x1e: {  	[tilespmem:s15], [sflag:$0x1] =	stream.indirect.gather [hbm4b:s2+s11], $0x80, s23, s11, $0xb8;
	[tilespmem:$0xAD00] =	vst v63  }
0x1f: {  	_ =	swait.ge [sflag:s16], $0x2800  }
0x20: {  	[sflag:s16] =	ssyncset.done $0x0  }
0x21: {  	s24 =	simm.s32 $0x680;
	[sflag:s16] =	ssyncadd.s32 $0xFFFFD800  }
0x22: {  	[tilespmem:s12], [sflag:$0x2] =	stream.indirect.gather.add.f32 [hbm:s3], $0x80, s24, s11, $0xb8;
	[tilespmem:$0xAD00] =	vst v63  }
0x23: {  	_ =	swait.ge [sflag:s16], $0x2800  }
0x24: {  	[sflag:s16] =	ssyncset.done $0x0  }
0x25: {  	s25 =	simm.s32 $0x6D0;
	[sflag:s16] =	ssyncadd.s32 $0xFFFFD800  }
0x26: {  	[tilespmem:s13], [sflag:$0x2] =	stream.indirect.gather.add.f32 [hbm:s3], $0x80, s25, s11, $0xb8;
	[tilespmem:$0xAD00] =	vst v63  }
0x27: {  	_ =	swait.ge [sflag:s16], $0x2800  }
0x28: {  	[sflag:s16] =	ssyncset.done $0x0  }
0x29: {  	s26 =	simm.s32 $0x720;
	[sflag:s16] =	ssyncadd.s32 $0xFFFFD800  }
0x2a: {  	[tilespmem:s14], [sflag:$0x2] =	stream.indirect.gather.add.f32 [hbm:s3], $0x80, s26, s11, $0xb8;
	[tilespmem:$0xAD00] =	vst v63  }
0x2b: {  	_ =	swait.ge [sflag:s16], $0x2800  }
0x2c: {  	[sflag:s16] =	ssyncset.done $0x0  }
0x2d: {  	s28 =	simm.s32 $0x770;
	[sflag:s16] =	ssyncadd.s32 $0xFFFFD800  }
0x2e: {  	[tilespmem:s15], [sflag:$0x2] =	stream.indirect.gather.add.f32 [hbm:s3], $0x80, s28, s11, $0xb8;
	[tilespmem:$0xAD00] =	vst v63  }
0x2f: {  	_ =	swait.ge [sflag:s17], $0x2800  }
0x30: {  	[sflag:s17] =	ssyncset.done $0x0  }
0x31: {  	s29 =	sadd.s32 $0xFFFFF100, s8;
	[sflag:s17] =	ssyncadd.s32 $0xFFFFD800  }
0x32: {  	[hbm4b:s29+s4] =	stream.linear.scatter [tilespmem:s12], [sflag:$0x3], $0x2800, $0x38;
	[tilespmem:$0xAD00] =	vst v63  }
0x33: {  	_ =	swait.ge [sflag:s17], $0x2800  }
0x34: {  	[sflag:s17] =	ssyncset.done $0x0  }
0x35: {  	s30 =	sadd.s32 $0xFFFFF600, s8;
	[sflag:s17] =	ssyncadd.s32 $0xFFFFD800  }
0x36: {  	[hbm4b:s30+s4] =	stream.linear.scatter [tilespmem:s13], [sflag:$0x3], $0x2800, $0x38;
	[tilespmem:$0xAD00] =	vst v63  }
0x37: {  	_ =	swait.ge [sflag:s17], $0x2800  }
0x38: {  	[sflag:s17] =	ssyncset.done $0x0  }
0x39: {  	s31 =	sadd.s32 $0xFFFFFB00, s8;
	[sflag:s17] =	ssyncadd.s32 $0xFFFFD800  }
0x3a: {  	[hbm4b:s31+s4] =	stream.linear.scatter [tilespmem:s14], [sflag:$0x3], $0x2800, $0x38;
	[tilespmem:$0xAD00] =	vst v63  }
0x3b: {  	_ =	swait.ge [sflag:s17], $0x2800  }
0x3c: {  	[sflag:s17] =	ssyncset.done $0x0  }
0x3d: {  	[sflag:s17] =	ssyncadd.s32 $0xFFFFD800  }
0x3e: {  	[hbm4b:s8+s4] =	stream.linear.scatter [tilespmem:s15], [sflag:$0x3], $0x2800, $0x38;
	[tilespmem:$0xAD00] =	vst v63  }
0x3f: {  	_ =	swait.ge [sflag:s18], $0x2800  }
0x40: {  	[sflag:s18] =	ssyncset.done $0x0  }
0x41: {  	[sflag:s18] =	ssyncadd.s32 $0xFFFFD800  }
0x42: {  	_ =	swait.ge [sflag:s18], $0x2800  }
0x43: {  	[sflag:s18] =	ssyncset.done $0x0  }
0x44: {  	[sflag:s18] =	ssyncadd.s32 $0xFFFFD800  }
0x45: {  	_ =	swait.ge [sflag:s18], $0x2800  }
0x46: {  	[sflag:s18] =	ssyncset.done $0x0  }
0x47: {  	[sflag:s18] =	ssyncadd.s32 $0xFFFFD800  }
0x48: {  	s20 =	sadd.s32 $0x1400, s8;
	_ =	swait.ge [sflag:s18], $0x2800  }
0x49: {  	s21 =	simm.s32 $0x500;
	s23 =	simm.s32 $0xA00;
	[sflag:s18] =	ssyncset.done $0x0  }
.LBB2_2:
0x4a: {  	s24 =	sshra.s32 s21, $0x2  }
0x4b: {  	[sflag:s18] =	ssyncadd.s32 $0xFFFFD800;
	s21 =	smov.u32 s23;
	s22 =	sadd.s32 $0x500, s23  }
0x4c: {  	[tilespmem:s12], [sflag:$0x1] =	stream.indirect.gather [hbm4b:s2+s11], $0x80, s24, s11, $0xb8;
	[tilespmem:$0xAD00] =	vst v63  }
0x4d: {  	p0 =	sne.s32 s23, $0x1400;
	s23 =	sadd.s32 $0x50, s24  }
0x4e: {  	[tilespmem:s13], [sflag:$0x1] =	stream.indirect.gather [hbm4b:s2+s11], $0x80, s23, s11, $0xb8;
	[tilespmem:$0xAD00] =	vst v63  }
0x4f: {  	s23 =	sadd.s32 $0xA0, s24  }
0x50: {  	[tilespmem:s14], [sflag:$0x1] =	stream.indirect.gather [hbm4b:s2+s11], $0x80, s23, s11, $0xb8;
	[tilespmem:$0xAD00] =	vst v63  }
0x51: {  	s23 =	sadd.s32 $0xF0, s24  }
0x52: {  	[tilespmem:s15], [sflag:$0x1] =	stream.indirect.gather [hbm4b:s2+s11], $0x80, s23, s11, $0xb8;
	[tilespmem:$0xAD00] =	vst v63  }
0x53: {  	_ =	swait.ge [sflag:s16], $0x2800  }
0x54: {  	[sflag:s16] =	ssyncset.done $0x0  }
0x55: {  	s23 =	sadd.s32 $0x680, s24;
	[sflag:s16] =	ssyncadd.s32 $0xFFFFD800  }
0x56: {  	[tilespmem:s12], [sflag:$0x2] =	stream.indirect.gather.add.f32 [hbm:s3], $0x80, s23, s11, $0xb8;
	[tilespmem:$0xAD00] =	vst v63  }
0x57: {  	_ =	swait.ge [sflag:s16], $0x2800  }
0x58: {  	[sflag:s16] =	ssyncset.done $0x0  }
0x59: {  	s23 =	sadd.s32 $0x6D0, s24;
	[sflag:s16] =	ssyncadd.s32 $0xFFFFD800  }
0x5a: {  	[tilespmem:s13], [sflag:$0x2] =	stream.indirect.gather.add.f32 [hbm:s3], $0x80, s23, s11, $0xb8;
	[tilespmem:$0xAD00] =	vst v63  }
0x5b: {  	_ =	swait.ge [sflag:s16], $0x2800  }
0x5c: {  	[sflag:s16] =	ssyncset.done $0x0  }
0x5d: {  	s23 =	sadd.s32 $0x720, s24;
	[sflag:s16] =	ssyncadd.s32 $0xFFFFD800  }
0x5e: {  	[tilespmem:s14], [sflag:$0x2] =	stream.indirect.gather.add.f32 [hbm:s3], $0x80, s23, s11, $0xb8;
	[tilespmem:$0xAD00] =	vst v63  }
0x5f: {  	_ =	swait.ge [sflag:s16], $0x2800  }
0x60: {  	[sflag:s16] =	ssyncset.done $0x0  }
0x61: {  	s23 =	sadd.s32 $0x770, s24;
	[sflag:s16] =	ssyncadd.s32 $0xFFFFD800  }
0x62: {  	[tilespmem:s15], [sflag:$0x2] =	stream.indirect.gather.add.f32 [hbm:s3], $0x80, s23, s11, $0xb8;
	[tilespmem:$0xAD00] =	vst v63  }
0x63: {  	_ =	swait.ge [sflag:s17], $0x2800  }
0x64: {  	[sflag:s17] =	ssyncset.done $0x0  }
0x65: {  	s23 =	sadd.s32 $0xFFFFF100, s20;
	[sflag:s17] =	ssyncadd.s32 $0xFFFFD800  }
0x66: {  	[hbm4b:s23+s4] =	stream.linear.scatter [tilespmem:s12], [sflag:$0x3], $0x2800, $0x38;
	[tilespmem:$0xAD00] =	vst v63  }
0x67: {  	_ =	swait.ge [sflag:s17], $0x2800  }
0x68: {  	[sflag:s17] =	ssyncset.done $0x0  }
0x69: {  	s23 =	sadd.s32 $0xFFFFF600, s20;
	[sflag:s17] =	ssyncadd.s32 $0xFFFFD800  }
0x6a: {  	[hbm4b:s23+s4] =	stream.linear.scatter [tilespmem:s13], [sflag:$0x3], $0x2800, $0x38;
	[tilespmem:$0xAD00] =	vst v63  }
0x6b: {  	_ =	swait.ge [sflag:s17], $0x2800  }
0x6c: {  	[sflag:s17] =	ssyncset.done $0x0  }
0x6d: {  	s23 =	sadd.s32 $0xFFFFFB00, s20;
	[sflag:s17] =	ssyncadd.s32 $0xFFFFD800  }
0x6e: {  	[hbm4b:s23+s4] =	stream.linear.scatter [tilespmem:s14], [sflag:$0x3], $0x2800, $0x38;
	[tilespmem:$0xAD00] =	vst v63  }
0x6f: {  	_ =	swait.ge [sflag:s17], $0x2800  }
0x70: {  	[sflag:s17] =	ssyncset.done $0x0  }
0x71: {  	[sflag:s17] =	ssyncadd.s32 $0xFFFFD800  }
0x72: {  	[hbm4b:s20+s4] =	stream.linear.scatter [tilespmem:s15], [sflag:$0x3], $0x2800, $0x38;
	[tilespmem:$0xAD00] =	vst v63  }
0x73: {  	_ =	swait.ge [sflag:s18], $0x2800  }
0x74: {  	[sflag:s18] =	ssyncset.done $0x0  }
0x75: {  	[sflag:s18] =	ssyncadd.s32 $0xFFFFD800  }
0x76: {  	_ =	swait.ge [sflag:s18], $0x2800  }
0x77: {  	[sflag:s18] =	ssyncset.done $0x0  }
0x78: {  	[sflag:s18] =	ssyncadd.s32 $0xFFFFD800  }
.Ltmp0:
0x79: {  	_ =	swait.ge [sflag:s18], $0x2800;
	(pc) =	sbr.rel @p0 .LBB2_2-.Ltmp0, $4  }
0x7a: {  	[sflag:s18] =	ssyncset.done $0x0  }
0x7b: {  	[sflag:s18] =	ssyncadd.s32 $0xFFFFD800  }
0x7c: {  	_ =	swait.ge [sflag:s18], $0x2800  }
0x7d: {  	s23 =	smov.u32 s22;
	s20 =	sadd.s32 $0x1400, s20;
	[sflag:s18] =	ssyncset.done $0x0  }
0x7e: {  	s21 =	sshra.s32 s21, $0x2;
	[sflag:s18] =	ssyncadd.s32 $0xFFFFD800  }
0x7f: {  	[tilespmem:s12], [sflag:$0x1] =	stream.indirect.gather [hbm4b:s2+s11], $0x80, s21, s11, $0xb8;
	[tilespmem:$0xAD00] =	vst v63  }
0x80: {  	s22 =	sadd.s32 $0x50, s21  }
0x81: {  	[tilespmem:s13], [sflag:$0x1] =	stream.indirect.gather [hbm4b:s2+s11], $0x80, s22, s11, $0xb8;
	[tilespmem:$0xAD00] =	vst v63  }
0x82: {  	s23 =	sadd.s32 $0xA0, s21  }
0x83: {  	[tilespmem:s14], [sflag:$0x1] =	stream.indirect.gather [hbm4b:s2+s11], $0x80, s23, s11, $0xb8;
	[tilespmem:$0xAD00] =	vst v63  }
0x84: {  	s24 =	sadd.s32 $0xF0, s21  }
0x85: {  	[tilespmem:s15], [sflag:$0x1] =	stream.indirect.gather [hbm4b:s2+s11], $0x80, s24, s11, $0xb8;
	[tilespmem:$0xAD00] =	vst v63  }
0x86: {  	_ =	swait.ge [sflag:s16], $0x2800  }
0x87: {  	[sflag:s16] =	ssyncset.done $0x0  }
0x88: {  	s25 =	sadd.s32 $0x680, s21;
	[sflag:s16] =	ssyncadd.s32 $0xFFFFD800  }
0x89: {  	[tilespmem:s12], [sflag:$0x2] =	stream.indirect.gather.add.f32 [hbm:s3], $0x80, s25, s11, $0xb8;
	[tilespmem:$0xAD00] =	vst v63  }
0x8a: {  	_ =	swait.ge [sflag:s16], $0x2800  }
0x8b: {  	[sflag:s16] =	ssyncset.done $0x0  }
0x8c: {  	s26 =	sadd.s32 $0x6D0, s21;
	[sflag:s16] =	ssyncadd.s32 $0xFFFFD800  }
0x8d: {  	[tilespmem:s13], [sflag:$0x2] =	stream.indirect.gather.add.f32 [hbm:s3], $0x80, s26, s11, $0xb8;
	[tilespmem:$0xAD00] =	vst v63  }
0x8e: {  	_ =	swait.ge [sflag:s16], $0x2800  }
0x8f: {  	[sflag:s16] =	ssyncset.done $0x0  }
0x90: {  	s28 =	sadd.s32 $0x720, s21;
	[sflag:s16] =	ssyncadd.s32 $0xFFFFD800  }
0x91: {  	[tilespmem:s14], [sflag:$0x2] =	stream.indirect.gather.add.f32 [hbm:s3], $0x80, s28, s11, $0xb8;
	[tilespmem:$0xAD00] =	vst v63  }
0x92: {  	_ =	swait.ge [sflag:s16], $0x2800  }
0x93: {  	[sflag:s16] =	ssyncset.done $0x0  }
0x94: {  	s21 =	sadd.s32 $0x770, s21;
	[sflag:s16] =	ssyncadd.s32 $0xFFFFD800  }
0x95: {  	[tilespmem:s15], [sflag:$0x2] =	stream.indirect.gather.add.f32 [hbm:s3], $0x80, s21, s11, $0xb8;
	[tilespmem:$0xAD00] =	vst v63  }
0x96: {  	_ =	swait.ge [sflag:s17], $0x2800  }
0x97: {  	[sflag:s17] =	ssyncset.done $0x0  }
0x98: {  	s29 =	sadd.s32 $0xFFFFF100, s20;
	[sflag:s17] =	ssyncadd.s32 $0xFFFFD800  }
0x99: {  	[hbm4b:s29+s4] =	stream.linear.scatter [tilespmem:s12], [sflag:$0x3], $0x2800, $0x38;
	[tilespmem:$0xAD00] =	vst v63  }
0x9a: {  	_ =	swait.ge [sflag:s17], $0x2800  }
0x9b: {  	[sflag:s17] =	ssyncset.done $0x0  }
0x9c: {  	s30 =	sadd.s32 $0xFFFFF600, s20;
	[sflag:s17] =	ssyncadd.s32 $0xFFFFD800  }
0x9d: {  	[hbm4b:s30+s4] =	stream.linear.scatter [tilespmem:s13], [sflag:$0x3], $0x2800, $0x38;
	[tilespmem:$0xAD00] =	vst v63  }
0x9e: {  	_ =	swait.ge [sflag:s17], $0x2800  }
0x9f: {  	[sflag:s17] =	ssyncset.done $0x0  }
0xa0: {  	s31 =	sadd.s32 $0xFFFFFB00, s20;
	[sflag:s17] =	ssyncadd.s32 $0xFFFFD800  }
0xa1: {  	[hbm4b:s31+s4] =	stream.linear.scatter [tilespmem:s14], [sflag:$0x3], $0x2800, $0x38;
	[tilespmem:$0xAD00] =	vst v63  }
0xa2: {  	_ =	swait.ge [sflag:s17], $0x2800  }
0xa3: {  	[sflag:s17] =	ssyncset.done $0x0  }
0xa4: {  	[sflag:s17] =	ssyncadd.s32 $0xFFFFD800  }
0xa5: {  	[hbm4b:s20+s4] =	stream.linear.scatter [tilespmem:s15], [sflag:$0x3], $0x2800, $0x38;
	[tilespmem:$0xAD00] =	vst v63  }
0xa6: {  	_ =	swait.ge [sflag:s18], $0x2800  }
0xa7: {  	[sflag:s18] =	ssyncset.done $0x0  }
0xa8: {  	[sflag:s18] =	ssyncadd.s32 $0xFFFFD800  }
0xa9: {  	_ =	swait.ge [sflag:s18], $0x2800  }
0xaa: {  	[sflag:s18] =	ssyncset.done $0x0  }
0xab: {  	s19 =	sadd.s32 $0x1, s19;
	[sflag:s18] =	ssyncadd.s32 $0xFFFFD800  }
0xac: {  	p0 =	sne.s32 s19, s7;
	_ =	swait.ge [sflag:s18], $0x2800  }
.Ltmp1:
0xad: {  	[sflag:s18] =	ssyncset.done $0x0;
	(pc) =	sbr.rel @p0 .LBB2_1-.Ltmp1, $4  }
0xae: {  	[sflag:s18] =	ssyncadd.s32 $0xFFFFD800  }
0xaf: {  	_ =	swait.ge [sflag:s18], $0x2800  }
0xb0: {  	[sflag:s18] =	ssyncset.done $0x0  }
0xb1: {  	[sflag:s18] =	ssyncadd.s32 $0xFFFFD800  }
0xb2: {  	_ =	sfence.sel $0x180000  }
0xb3: {  	[bflag:$0x0] =	sbarrier.arrive $0xFFFF  }
0xb4: {  	p0 =	sne.s32 s0, $0x0;
	_ =	strace $0x90000047  }
0xb5: {  	s0 =	sadd.s32 @!p0 $0x100000, s1;
	[bflag:$0x2] =	sbarrier.arrive $0xFFFF  }
0xb6: {  	[sflag:s0] =	ssyncadd.tile.s32 @!p0 $0x1;
	_ =	shalt  }
.Lfunc_end2:
_tile_overlayer_lowered:
.L_overlay_start_2:
0xb7: {  	(tag) =	ssettag $0x2  }
0xb8: {  	s0 =	rddreg [dreg:$0x0];
	s2 =	stileid.u32  }
0xb9: {  	s1 =	rddreg [dreg:$0x1];
	p0 =	sne.s32 s2, $0x0  }
0xba: {  	s3 =	rddreg [dreg:$0x2];
	[bflag:$0x3] =	sbarrier.arrive $0xFFFF;
	s2 =	simm.s32 @!p0 $0x1C04  }
0xbb: {  	[timem:s3], [sflag:s2] =	dma.local @!p0 [hbm:s0], s1  }
0xbc: {  	s0 =	simm.s32 @!p0 $0x4  }
0xbd: {  	_ =	swait.ge @!p0 [sflag:s0], s1  }
0xbe: {  	s1 =	ssub.s32 @!p0 $0x0, s1;
	[sflag:s0] =	ssyncset.done @!p0 $0x0  }
0xbf: {  	[sflag:s0] =	ssyncadd.s32 @!p0 s1  }
0xc0: {  	[bflag:$0x3] =	sbarrier.arrive $0xFFFF  }
0xc1: {  	_ =	shalt  }

</sc_bundles>
